<compile_context>
chip_gen: v7x
topology: tpu7x:2x2x1
jax: 0.10.2.dev20260603
libtpu: 0.0.44.dev20260713+nightly
codegen_flags: <defaults>
</compile_context>

<pallas_src>
import functools

import jax
import jax.numpy as jnp
from jax import lax
from jax.experimental import pallas as pl
from jax.experimental.pallas import tpu as pltpu
from jax.experimental.pallas import tpu_sc as plsc

_BM = 2048


def _loss_kernel(q_ref, x_ref, loss_ref, *, n_tok, dim):
    i = pl.program_id(0)
    r = q_ref[...] - x_ref[...]
    part = jnp.sum(r * r, keepdims=True)[:1, :1]

    @pl.when(i == 0)
    def _():
        loss_ref[...] = jnp.zeros((1, 1), jnp.float32)

    loss_ref[...] += part

    @pl.when(i == pl.num_programs(0) - 1)
    def _():
        loss_ref[...] = loss_ref[...] / jnp.float32(n_tok * dim)


def _commit_loss(qf, xf):
    n_tok, dim = xf.shape
    loss = pl.pallas_call(
        functools.partial(_loss_kernel, n_tok=n_tok, dim=dim),
        grid=(n_tok // _BM,),
        in_specs=[
            pl.BlockSpec((_BM, dim), lambda i: (i, 0)),
            pl.BlockSpec((_BM, dim), lambda i: (i, 0)),
        ],
        out_specs=pl.BlockSpec((1, 1), lambda i: (0, 0)),
        out_shape=jax.ShapeDtypeStruct((1, 1), jnp.float32),
    )(qf, xf)
    return loss[0, 0]


def _make_sc_gather(n_tok, n_codes):
    info = plsc.get_sparse_core_info()
    nw = info.num_cores * info.num_subcores
    bpw = n_tok // nw
    ch = 128
    nch = bpw // ch
    rch = 4
    rounds = nch // rch
    rows_per_round = rch * ch
    mesh = plsc.VectorSubcoreMesh(core_axis_name="c", subcore_axis_name="s")

    @functools.partial(
        pl.kernel, mesh=mesh,
        out_type=jax.ShapeDtypeStruct((n_tok, 128), jnp.float32),
        scratch_types=[
            pltpu.VMEM((nch, ch), jnp.int32),
            pltpu.VMEM((rows_per_round, 128), jnp.float32),
            pltpu.SemaphoreType.DMA,
        ],
    )
    def gather(table_hbm, idx_hbm, out_hbm, idx_v, rows_v, sem):
        wid = lax.axis_index("s") * info.num_cores + lax.axis_index("c")
        pltpu.sync_copy(idx_hbm.at[wid], idx_v)
        for r in range(rounds):
            copies = [
                pltpu.async_copy(table_hbm.at[idx_v.at[r * rch + j]],
                                 rows_v.at[pl.ds(j * ch, ch)], sem)
                for j in range(rch)
            ]
            for c in copies:
                c.wait()
            pltpu.sync_copy(
                rows_v,
                out_hbm.at[pl.ds(wid * bpw + r * rows_per_round,
                                 rows_per_round)])

    return gather, nw, nch, ch


def kernel(x, embed):
    b, n, d = x.shape
    n_tok = b * n
    n_codes = embed.shape[1]
    xf = x.reshape(n_tok, d)
    table = embed[0]

    flatten = x.reshape(1, n_tok, d)
    dist = -(
        jnp.sum(flatten ** 2, axis=-1, keepdims=True)
        - 2.0 * jnp.einsum('hnd,hkd->hnk', flatten, embed)
        + jnp.sum(embed ** 2, axis=-1)[:, None, :]
    )
    idx = jnp.argmax(dist, axis=-1)[0].astype(jnp.int32)

    sc_gather, nw, nch, ch = _make_sc_gather(n_tok, n_codes)
    table_pad = jnp.pad(table, ((0, 0), (0, 128 - d)))
    rows = sc_gather(table_pad, idx.reshape(nw, nch, ch))
    qf = rows[:, :d]

    loss = _commit_loss(qf, xf)

    return qf.reshape(b, n, d), idx.reshape(b, n), loss

# --- scband reference (transcript-rebuilt; emitter-appended) ---
"""Pipeline reference for scband-vector-quantize-9706626089877 (READ-ONLY COPY).

The authoritative reference and input builder live on the scoring server;
editing this copy changes nothing except your own understanding.
"""

import jax, jax.numpy as jnp
import numpy as np

DIM = 32
CODEBOOK_SIZE = 8192
NUM_CODEBOOKS = 1
B, N = 64, 1024


def _kaiming_uniform(key, shape):
    # matches torch.nn.init.kaiming_uniform_ default (a=sqrt(5)) on a [h, c, d] tensor
    fan_in = shape[-1]
    gain = (2.0 / (1.0 + 5.0)) ** 0.5
    bound = gain * (3.0 / fan_in) ** 0.5
    return jax.random.uniform(key, shape, jnp.float32, -bound, bound)


def setup_inputs(seed: int = 0) -> dict:
    key = jax.random.key(seed)
    k1, k2 = jax.random.split(key)
    x = jax.random.normal(k1, (B, N, DIM), dtype=jnp.float32)
    embed = _kaiming_uniform(k2, (NUM_CODEBOOKS, CODEBOOK_SIZE, DIM))
    return {"x": x, "embed": embed}


def reference(x, embed):
    # VectorQuantize forward (heads=1, codebook_dim==dim -> project_in/out are identity),
    # EuclideanCodebook with sample_codebook_temp=0 (pure argmax), eval-path math.
    b, n, d = x.shape
    flatten = x.reshape(1, b * n, d)                        # 'h n d' with h=1 codebook
    e = embed                                               # [h, K, d]
    # negative squared euclidean distance
    dist = -(
        jnp.sum(flatten ** 2, axis=-1, keepdims=True)
        - 2.0 * jnp.einsum('hnd,hkd->hnk', flatten, e)
        + jnp.sum(e ** 2, axis=-1)[:, None, :]
    )                                                       # [h, b*n, K]
    embed_ind = jnp.argmax(dist, axis=-1)                   # [h, b*n] (gumbel_sample temp=0)
    # batched_embedding: gather codebook rows
    quantize = jnp.take(e[0], embed_ind[0], axis=0)         # [b*n, d]
    quantize = quantize.reshape(b, n, d)
    embed_ind_out = embed_ind.reshape(b, n)
    # commitment loss: F.mse_loss(quantize.detach(), x) * commitment_weight
    commit_loss = jnp.mean((jax.lax.stop_gradient(quantize) - x) ** 2) * 1.0
    # straight-through estimator: x + (quantize - x).detach()
    quantize_st = x + jax.lax.stop_gradient(quantize - x)
    return quantize_st, embed_ind_out, commit_loss

if __name__ == "__main__":
    import jax
    _d = setup_inputs()
    print(jax.jit(kernel)(*tuple(_d.values())))

</pallas_src>

<mosaic_0001>
#map = affine_map<(d0, d1) -> (0, 0)>
#map1 = affine_map<(d0, d1) -> (0, 0, 0)>
module attributes {stable_mosaic.version = 14 : i64} {
  func.func @gather(%arg0: i32, %arg1: i32, %arg2: memref<8192x128xf32, #tpu.memory_space<hbm>>, %arg3: memref<32x16x128xi32, #tpu.memory_space<hbm>>, %arg4: memref<65536x128xf32, #tpu.memory_space<hbm>>, %arg5: memref<16x128xi32, #tpu.memory_space<vmem>>, %arg6: memref<512x128xf32, #tpu.memory_space<vmem>>, %arg7: memref<!tpu.dma_semaphore, #tpu.memory_space<semaphore_mem>>) attributes {dimension_semantics = [#tpu.dimension_semantics<core_parallel>, #tpu.dimension_semantics<subcore_parallel>], iteration_bounds = array<i64: 2, 16>, scalar_prefetch = 0 : i64, scratch_operands = 3 : i64, tpu.core_type = #tpu.core_type<sc_vector_subcore>, window_params = [{transform_indices = #map}, {transform_indices = #map1}, {transform_indices = #map}]} {
    %mul3A = arith.constant 2 : i32
    %mul3A_0 = arith.muli %arg1, %mul3A : i32
    %add3A = arith.addi %mul3A_0, %arg0 : i32
    "tpu.region"() ({
      %run_scoped3A = tpu.sem_alloc : memref<!tpu.dma_semaphore, #tpu.memory_space<semaphore_mem>>
      %dma_start3A_335 = arith.constant 0 : i32
      %dma_start3A_336 = arith.constant 0 : i32
      %dma_start3A_337 = tpu.memref_slice %arg3[%add3A, %dma_start3A_335, %dma_start3A_336] : memref<32x16x128xi32, #tpu.memory_space<hbm>> -> memref<1x16x128xi32, #tpu.memory_space<hbm>>
      %dma_start3A_338 = tpu.memref_squeeze %dma_start3A_337 : memref<1x16x128xi32, #tpu.memory_space<hbm>> -> memref<16x128xi32, #tpu.memory_space<hbm>>
      %dma_start3A_339 = arith.constant 0 : i32
      %dma_start3A_340 = arith.constant 0 : i32
      %dma_start3A_341 = tpu.memref_slice %arg3[%add3A, %dma_start3A_339, %dma_start3A_340] : memref<32x16x128xi32, #tpu.memory_space<hbm>> -> memref<1x16x128xi32, #tpu.memory_space<hbm>>
      %dma_start3A_342 = tpu.memref_squeeze %dma_start3A_341 : memref<1x16x128xi32, #tpu.memory_space<hbm>> -> memref<16x128xi32, #tpu.memory_space<hbm>>
      tpu.enqueue_dma source(%dma_start3A_342 : memref<16x128xi32, #tpu.memory_space<hbm>>) target(%arg5 : memref<16x128xi32, #tpu.memory_space<vmem>>) target_semaphore(%run_scoped3A : memref<!tpu.dma_semaphore, #tpu.memory_space<semaphore_mem>>)
      %dma_wait3A_343 = arith.constant 0 : i32
      %dma_wait3A_344 = arith.constant 0 : i32
      %dma_wait3A_345 = tpu.memref_slice %arg3[%add3A, %dma_wait3A_343, %dma_wait3A_344] : memref<32x16x128xi32, #tpu.memory_space<hbm>> -> memref<1x16x128xi32, #tpu.memory_space<hbm>>
      %dma_wait3A_346 = tpu.memref_squeeze %dma_wait3A_345 : memref<1x16x128xi32, #tpu.memory_space<hbm>> -> memref<16x128xi32, #tpu.memory_space<hbm>>
      %dma_wait3A_347 = arith.constant 0 : i32
      %dma_wait3A_348 = arith.constant 0 : i32
      %dma_wait3A_349 = tpu.memref_slice %arg3[%add3A, %dma_wait3A_347, %dma_wait3A_348] : memref<32x16x128xi32, #tpu.memory_space<hbm>> -> memref<1x16x128xi32, #tpu.memory_space<hbm>>
      %dma_wait3A_350 = tpu.memref_squeeze %dma_wait3A_349 : memref<1x16x128xi32, #tpu.memory_space<hbm>> -> memref<16x128xi32, #tpu.memory_space<hbm>>
      tpu.wait_dma2 semaphore(%run_scoped3A : memref<!tpu.dma_semaphore, #tpu.memory_space<semaphore_mem>>) src(%dma_wait3A_350 : memref<16x128xi32, #tpu.memory_space<hbm>>) dst(%arg5 : memref<16x128xi32, #tpu.memory_space<vmem>>)
      tpu.yield
    }) : () -> ()
    %dma_start3A = arith.constant 0 : i32
    %dma_start3A_1 = arith.constant 0 : i32
    %dma_start3A_2 = arith.constant 0 : i32
    %dma_start3A_3 = tpu.memref_slice %arg6[%dma_start3A_1, %dma_start3A_2] : memref<512x128xf32, #tpu.memory_space<vmem>> -> memref<128x128xf32, #tpu.memory_space<vmem>>
    %dma_start3A_4 = arith.constant 0 : i32
    %dma_start3A_5 = tpu.memref_slice %arg5[%dma_start3A, %dma_start3A_4] : memref<16x128xi32, #tpu.memory_space<vmem>> -> memref<1x128xi32, #tpu.memory_space<vmem>>
    %dma_start3A_6 = tpu.memref_squeeze %dma_start3A_5 : memref<1x128xi32, #tpu.memory_space<vmem>> -> memref<128xi32, #tpu.memory_space<vmem>>
    %dma_start3A_7 = arith.constant 0 : i32
    %dma_start3A_8 = arith.constant 0 : i32
    %dma_start3A_9 = tpu.memref_slice %arg2[%dma_start3A_7, %dma_start3A_8] : memref<8192x128xf32, #tpu.memory_space<hbm>> -> memref<8192x128xf32, #tpu.memory_space<hbm>>
    tpu.enqueue_indirect_dma source(%dma_start3A_9 : memref<8192x128xf32, #tpu.memory_space<hbm>>) target(%dma_start3A_3 : memref<128x128xf32, #tpu.memory_space<vmem>>) offsets(%dma_start3A_6 : memref<128xi32, #tpu.memory_space<vmem>>) semaphore(%arg7 : memref<!tpu.dma_semaphore, #tpu.memory_space<semaphore_mem>>)
    %dma_start3A_10 = arith.constant 1 : i32
    %dma_start3A_11 = arith.constant 128 : i32
    %dma_start3A_12 = arith.constant 0 : i32
    %dma_start3A_13 = tpu.memref_slice %arg6[%dma_start3A_11, %dma_start3A_12] : memref<512x128xf32, #tpu.memory_space<vmem>> -> memref<128x128xf32, #tpu.memory_space<vmem>>
    %dma_start3A_14 = arith.constant 0 : i32
    %dma_start3A_15 = tpu.memref_slice %arg5[%dma_start3A_10, %dma_start3A_14] : memref<16x128xi32, #tpu.memory_space<vmem>> -> memref<1x128xi32, #tpu.memory_space<vmem>>
    %dma_start3A_16 = tpu.memref_squeeze %dma_start3A_15 : memref<1x128xi32, #tpu.memory_space<vmem>> -> memref<128xi32, #tpu.memory_space<vmem>>
    %dma_start3A_17 = arith.constant 0 : i32
    %dma_start3A_18 = arith.constant 0 : i32
    %dma_start3A_19 = tpu.memref_slice %arg2[%dma_start3A_17, %dma_start3A_18] : memref<8192x128xf32, #tpu.memory_space<hbm>> -> memref<8192x128xf32, #tpu.memory_space<hbm>>
    tpu.enqueue_indirect_dma source(%dma_start3A_19 : memref<8192x128xf32, #tpu.memory_space<hbm>>) target(%dma_start3A_13 : memref<128x128xf32, #tpu.memory_space<vmem>>) offsets(%dma_start3A_16 : memref<128xi32, #tpu.memory_space<vmem>>) semaphore(%arg7 : memref<!tpu.dma_semaphore, #tpu.memory_space<semaphore_mem>>)
    %dma_start3A_20 = arith.constant 2 : i32
    %dma_start3A_21 = arith.constant 256 : i32
    %dma_start3A_22 = arith.constant 0 : i32
    %dma_start3A_23 = tpu.memref_slice %arg6[%dma_start3A_21, %dma_start3A_22] : memref<512x128xf32, #tpu.memory_space<vmem>> -> memref<128x128xf32, #tpu.memory_space<vmem>>
    %dma_start3A_24 = arith.constant 0 : i32
    %dma_start3A_25 = tpu.memref_slice %arg5[%dma_start3A_20, %dma_start3A_24] : memref<16x128xi32, #tpu.memory_space<vmem>> -> memref<1x128xi32, #tpu.memory_space<vmem>>
    %dma_start3A_26 = tpu.memref_squeeze %dma_start3A_25 : memref<1x128xi32, #tpu.memory_space<vmem>> -> memref<128xi32, #tpu.memory_space<vmem>>
    %dma_start3A_27 = arith.constant 0 : i32
    %dma_start3A_28 = arith.constant 0 : i32
    %dma_start3A_29 = tpu.memref_slice %arg2[%dma_start3A_27, %dma_start3A_28] : memref<8192x128xf32, #tpu.memory_space<hbm>> -> memref<8192x128xf32, #tpu.memory_space<hbm>>
    tpu.enqueue_indirect_dma source(%dma_start3A_29 : memref<8192x128xf32, #tpu.memory_space<hbm>>) target(%dma_start3A_23 : memref<128x128xf32, #tpu.memory_space<vmem>>) offsets(%dma_start3A_26 : memref<128xi32, #tpu.memory_space<vmem>>) semaphore(%arg7 : memref<!tpu.dma_semaphore, #tpu.memory_space<semaphore_mem>>)
    %dma_start3A_30 = arith.constant 3 : i32
    %dma_start3A_31 = arith.constant 384 : i32
    %dma_start3A_32 = arith.constant 0 : i32
    %dma_start3A_33 = tpu.memref_slice %arg6[%dma_start3A_31, %dma_start3A_32] : memref<512x128xf32, #tpu.memory_space<vmem>> -> memref<128x128xf32, #tpu.memory_space<vmem>>
    %dma_start3A_34 = arith.constant 0 : i32
    %dma_start3A_35 = tpu.memref_slice %arg5[%dma_start3A_30, %dma_start3A_34] : memref<16x128xi32, #tpu.memory_space<vmem>> -> memref<1x128xi32, #tpu.memory_space<vmem>>
    %dma_start3A_36 = tpu.memref_squeeze %dma_start3A_35 : memref<1x128xi32, #tpu.memory_space<vmem>> -> memref<128xi32, #tpu.memory_space<vmem>>
    %dma_start3A_37 = arith.constant 0 : i32
    %dma_start3A_38 = arith.constant 0 : i32
    %dma_start3A_39 = tpu.memref_slice %arg2[%dma_start3A_37, %dma_start3A_38] : memref<8192x128xf32, #tpu.memory_space<hbm>> -> memref<8192x128xf32, #tpu.memory_space<hbm>>
    tpu.enqueue_indirect_dma source(%dma_start3A_39 : memref<8192x128xf32, #tpu.memory_space<hbm>>) target(%dma_start3A_33 : memref<128x128xf32, #tpu.memory_space<vmem>>) offsets(%dma_start3A_36 : memref<128xi32, #tpu.memory_space<vmem>>) semaphore(%arg7 : memref<!tpu.dma_semaphore, #tpu.memory_space<semaphore_mem>>)
    %dma_wait3A = arith.constant 0 : i32
    %dma_wait3A_40 = arith.constant 0 : i32
    %dma_wait3A_41 = arith.constant 0 : i32
    %dma_wait3A_42 = tpu.memref_slice %arg6[%dma_wait3A_40, %dma_wait3A_41] : memref<512x128xf32, #tpu.memory_space<vmem>> -> memref<128x128xf32, #tpu.memory_space<vmem>>
    %dma_wait3A_43 = arith.constant 0 : i32
    %dma_wait3A_44 = tpu.memref_slice %arg5[%dma_wait3A, %dma_wait3A_43] : memref<16x128xi32, #tpu.memory_space<vmem>> -> memref<1x128xi32, #tpu.memory_space<vmem>>
    %dma_wait3A_45 = tpu.memref_squeeze %dma_wait3A_44 : memref<1x128xi32, #tpu.memory_space<vmem>> -> memref<128xi32, #tpu.memory_space<vmem>>
    %dma_wait3A_46 = arith.constant 0 : i32
    %dma_wait3A_47 = arith.constant 0 : i32
    %dma_wait3A_48 = tpu.memref_slice %arg2[%dma_wait3A_46, %dma_wait3A_47] : memref<8192x128xf32, #tpu.memory_space<hbm>> -> memref<8192x128xf32, #tpu.memory_space<hbm>>
    tpu.wait_indirect_dma semaphore(%arg7 : memref<!tpu.dma_semaphore, #tpu.memory_space<semaphore_mem>>) src(%dma_wait3A_48 : memref<8192x128xf32, #tpu.memory_space<hbm>>) dst(%dma_wait3A_42 : memref<128x128xf32, #tpu.memory_space<vmem>>)
    %dma_wait3A_49 = arith.constant 1 : i32
    %dma_wait3A_50 = arith.constant 128 : i32
    %dma_wait3A_51 = arith.constant 0 : i32
    %dma_wait3A_52 = tpu.memref_slice %arg6[%dma_wait3A_50, %dma_wait3A_51] : memref<512x128xf32, #tpu.memory_space<vmem>> -> memref<128x128xf32, #tpu.memory_space<vmem>>
    %dma_wait3A_53 = arith.constant 0 : i32
    %dma_wait3A_54 = tpu.memref_slice %arg5[%dma_wait3A_49, %dma_wait3A_53] : memref<16x128xi32, #tpu.memory_space<vmem>> -> memref<1x128xi32, #tpu.memory_space<vmem>>
    %dma_wait3A_55 = tpu.memref_squeeze %dma_wait3A_54 : memref<1x128xi32, #tpu.memory_space<vmem>> -> memref<128xi32, #tpu.memory_space<vmem>>
    %dma_wait3A_56 = arith.constant 0 : i32
    %dma_wait3A_57 = arith.constant 0 : i32
    %dma_wait3A_58 = tpu.memref_slice %arg2[%dma_wait3A_56, %dma_wait3A_57] : memref<8192x128xf32, #tpu.memory_space<hbm>> -> memref<8192x128xf32, #tpu.memory_space<hbm>>
    tpu.wait_indirect_dma semaphore(%arg7 : memref<!tpu.dma_semaphore, #tpu.memory_space<semaphore_mem>>) src(%dma_wait3A_58 : memref<8192x128xf32, #tpu.memory_space<hbm>>) dst(%dma_wait3A_52 : memref<128x128xf32, #tpu.memory_space<vmem>>)
    %dma_wait3A_59 = arith.constant 2 : i32
    %dma_wait3A_60 = arith.constant 256 : i32
    %dma_wait3A_61 = arith.constant 0 : i32
    %dma_wait3A_62 = tpu.memref_slice %arg6[%dma_wait3A_60, %dma_wait3A_61] : memref<512x128xf32, #tpu.memory_space<vmem>> -> memref<128x128xf32, #tpu.memory_space<vmem>>
    %dma_wait3A_63 = arith.constant 0 : i32
    %dma_wait3A_64 = tpu.memref_slice %arg5[%dma_wait3A_59, %dma_wait3A_63] : memref<16x128xi32, #tpu.memory_space<vmem>> -> memref<1x128xi32, #tpu.memory_space<vmem>>
    %dma_wait3A_65 = tpu.memref_squeeze %dma_wait3A_64 : memref<1x128xi32, #tpu.memory_space<vmem>> -> memref<128xi32, #tpu.memory_space<vmem>>
    %dma_wait3A_66 = arith.constant 0 : i32
    %dma_wait3A_67 = arith.constant 0 : i32
    %dma_wait3A_68 = tpu.memref_slice %arg2[%dma_wait3A_66, %dma_wait3A_67] : memref<8192x128xf32, #tpu.memory_space<hbm>> -> memref<8192x128xf32, #tpu.memory_space<hbm>>
    tpu.wait_indirect_dma semaphore(%arg7 : memref<!tpu.dma_semaphore, #tpu.memory_space<semaphore_mem>>) src(%dma_wait3A_68 : memref<8192x128xf32, #tpu.memory_space<hbm>>) dst(%dma_wait3A_62 : memref<128x128xf32, #tpu.memory_space<vmem>>)
    %dma_wait3A_69 = arith.constant 3 : i32
    %dma_wait3A_70 = arith.constant 384 : i32
    %dma_wait3A_71 = arith.constant 0 : i32
    %dma_wait3A_72 = tpu.memref_slice %arg6[%dma_wait3A_70, %dma_wait3A_71] : memref<512x128xf32, #tpu.memory_space<vmem>> -> memref<128x128xf32, #tpu.memory_space<vmem>>
    %dma_wait3A_73 = arith.constant 0 : i32
    %dma_wait3A_74 = tpu.memref_slice %arg5[%dma_wait3A_69, %dma_wait3A_73] : memref<16x128xi32, #tpu.memory_space<vmem>> -> memref<1x128xi32, #tpu.memory_space<vmem>>
    %dma_wait3A_75 = tpu.memref_squeeze %dma_wait3A_74 : memref<1x128xi32, #tpu.memory_space<vmem>> -> memref<128xi32, #tpu.memory_space<vmem>>
    %dma_wait3A_76 = arith.constant 0 : i32
    %dma_wait3A_77 = arith.constant 0 : i32
    %dma_wait3A_78 = tpu.memref_slice %arg2[%dma_wait3A_76, %dma_wait3A_77] : memref<8192x128xf32, #tpu.memory_space<hbm>> -> memref<8192x128xf32, #tpu.memory_space<hbm>>
    tpu.wait_indirect_dma semaphore(%arg7 : memref<!tpu.dma_semaphore, #tpu.memory_space<semaphore_mem>>) src(%dma_wait3A_78 : memref<8192x128xf32, #tpu.memory_space<hbm>>) dst(%dma_wait3A_72 : memref<128x128xf32, #tpu.memory_space<vmem>>)
    %mul3A_79 = arith.constant 2048 : i32
    %mul3A_80 = arith.muli %add3A, %mul3A_79 : i32
    %add3A_81 = arith.constant 0 : i32
    %add3A_82 = arith.addi %mul3A_80, %add3A_81 : i32
    "tpu.region"() ({
      %run_scoped3A = tpu.sem_alloc : memref<!tpu.dma_semaphore, #tpu.memory_space<semaphore_mem>>
      %dma_start3A_335 = arith.constant 0 : i32
      %dma_start3A_336 = tpu.memref_slice %arg4[%add3A_82, %dma_start3A_335] : memref<65536x128xf32, #tpu.memory_space<hbm>> -> memref<512x128xf32, #tpu.memory_space<hbm>>
      %dma_start3A_337 = arith.constant 0 : i32
      %dma_start3A_338 = tpu.memref_slice %arg4[%add3A_82, %dma_start3A_337] : memref<65536x128xf32, #tpu.memory_space<hbm>> -> memref<512x128xf32, #tpu.memory_space<hbm>>
      tpu.enqueue_dma source(%arg6 : memref<512x128xf32, #tpu.memory_space<vmem>>) target(%dma_start3A_338 : memref<512x128xf32, #tpu.memory_space<hbm>>) target_semaphore(%run_scoped3A : memref<!tpu.dma_semaphore, #tpu.memory_space<semaphore_mem>>)
      %dma_wait3A_339 = arith.constant 0 : i32
      %dma_wait3A_340 = tpu.memref_slice %arg4[%add3A_82, %dma_wait3A_339] : memref<65536x128xf32, #tpu.memory_space<hbm>> -> memref<512x128xf32, #tpu.memory_space<hbm>>
      %dma_wait3A_341 = arith.constant 0 : i32
      %dma_wait3A_342 = tpu.memref_slice %arg4[%add3A_82, %dma_wait3A_341] : memref<65536x128xf32, #tpu.memory_space<hbm>> -> memref<512x128xf32, #tpu.memory_space<hbm>>
      tpu.wait_dma2 semaphore(%run_scoped3A : memref<!tpu.dma_semaphore, #tpu.memory_space<semaphore_mem>>) src(%arg6 : memref<512x128xf32, #tpu.memory_space<vmem>>) dst(%dma_wait3A_342 : memref<512x128xf32, #tpu.memory_space<hbm>>)
      tpu.yield
    }) : () -> ()
    %dma_start3A_83 = arith.constant 4 : i32
    %dma_start3A_84 = arith.constant 0 : i32
    %dma_start3A_85 = arith.constant 0 : i32
    %dma_start3A_86 = tpu.memref_slice %arg6[%dma_start3A_84, %dma_start3A_85] : memref<512x128xf32, #tpu.memory_space<vmem>> -> memref<128x128xf32, #tpu.memory_space<vmem>>
    %dma_start3A_87 = arith.constant 0 : i32
    %dma_start3A_88 = tpu.memref_slice %arg5[%dma_start3A_83, %dma_start3A_87] : memref<16x128xi32, #tpu.memory_space<vmem>> -> memref<1x128xi32, #tpu.memory_space<vmem>>
    %dma_start3A_89 = tpu.memref_squeeze %dma_start3A_88 : memref<1x128xi32, #tpu.memory_space<vmem>> -> memref<128xi32, #tpu.memory_space<vmem>>
    %dma_start3A_90 = arith.constant 0 : i32
    %dma_start3A_91 = arith.constant 0 : i32
    %dma_start3A_92 = tpu.memref_slice %arg2[%dma_start3A_90, %dma_start3A_91] : memref<8192x128xf32, #tpu.memory_space<hbm>> -> memref<8192x128xf32, #tpu.memory_space<hbm>>
    tpu.enqueue_indirect_dma source(%dma_start3A_92 : memref<8192x128xf32, #tpu.memory_space<hbm>>) target(%dma_start3A_86 : memref<128x128xf32, #tpu.memory_space<vmem>>) offsets(%dma_start3A_89 : memref<128xi32, #tpu.memory_space<vmem>>) semaphore(%arg7 : memref<!tpu.dma_semaphore, #tpu.memory_space<semaphore_mem>>)
    %dma_start3A_93 = arith.constant 5 : i32
    %dma_start3A_94 = arith.constant 128 : i32
    %dma_start3A_95 = arith.constant 0 : i32
    %dma_start3A_96 = tpu.memref_slice %arg6[%dma_start3A_94, %dma_start3A_95] : memref<512x128xf32, #tpu.memory_space<vmem>> -> memref<128x128xf32, #tpu.memory_space<vmem>>
    %dma_start3A_97 = arith.constant 0 : i32
    %dma_start3A_98 = tpu.memref_slice %arg5[%dma_start3A_93, %dma_start3A_97] : memref<16x128xi32, #tpu.memory_space<vmem>> -> memref<1x128xi32, #tpu.memory_space<vmem>>
    %dma_start3A_99 = tpu.memref_squeeze %dma_start3A_98 : memref<1x128xi32, #tpu.memory_space<vmem>> -> memref<128xi32, #tpu.memory_space<vmem>>
    %dma_start3A_100 = arith.constant 0 : i32
    %dma_start3A_101 = arith.constant 0 : i32
    %dma_start3A_102 = tpu.memref_slice %arg2[%dma_start3A_100, %dma_start3A_101] : memref<8192x128xf32, #tpu.memory_space<hbm>> -> memref<8192x128xf32, #tpu.memory_space<hbm>>
    tpu.enqueue_indirect_dma source(%dma_start3A_102 : memref<8192x128xf32, #tpu.memory_space<hbm>>) target(%dma_start3A_96 : memref<128x128xf32, #tpu.memory_space<vmem>>) offsets(%dma_start3A_99 : memref<128xi32, #tpu.memory_space<vmem>>) semaphore(%arg7 : memref<!tpu.dma_semaphore, #tpu.memory_space<semaphore_mem>>)
    %dma_start3A_103 = arith.constant 6 : i32
    %dma_start3A_104 = arith.constant 256 : i32
    %dma_start3A_105 = arith.constant 0 : i32
    %dma_start3A_106 = tpu.memref_slice %arg6[%dma_start3A_104, %dma_start3A_105] : memref<512x128xf32, #tpu.memory_space<vmem>> -> memref<128x128xf32, #tpu.memory_space<vmem>>
    %dma_start3A_107 = arith.constant 0 : i32
    %dma_start3A_108 = tpu.memref_slice %arg5[%dma_start3A_103, %dma_start3A_107] : memref<16x128xi32, #tpu.memory_space<vmem>> -> memref<1x128xi32, #tpu.memory_space<vmem>>
    %dma_start3A_109 = tpu.memref_squeeze %dma_start3A_108 : memref<1x128xi32, #tpu.memory_space<vmem>> -> memref<128xi32, #tpu.memory_space<vmem>>
    %dma_start3A_110 = arith.constant 0 : i32
    %dma_start3A_111 = arith.constant 0 : i32
    %dma_start3A_112 = tpu.memref_slice %arg2[%dma_start3A_110, %dma_start3A_111] : memref<8192x128xf32, #tpu.memory_space<hbm>> -> memref<8192x128xf32, #tpu.memory_space<hbm>>
    tpu.enqueue_indirect_dma source(%dma_start3A_112 : memref<8192x128xf32, #tpu.memory_space<hbm>>) target(%dma_start3A_106 : memref<128x128xf32, #tpu.memory_space<vmem>>) offsets(%dma_start3A_109 : memref<128xi32, #tpu.memory_space<vmem>>) semaphore(%arg7 : memref<!tpu.dma_semaphore, #tpu.memory_space<semaphore_mem>>)
    %dma_start3A_113 = arith.constant 7 : i32
    %dma_start3A_114 = arith.constant 384 : i32
    %dma_start3A_115 = arith.constant 0 : i32
    %dma_start3A_116 = tpu.memref_slice %arg6[%dma_start3A_114, %dma_start3A_115] : memref<512x128xf32, #tpu.memory_space<vmem>> -> memref<128x128xf32, #tpu.memory_space<vmem>>
    %dma_start3A_117 = arith.constant 0 : i32
    %dma_start3A_118 = tpu.memref_slice %arg5[%dma_start3A_113, %dma_start3A_117] : memref<16x128xi32, #tpu.memory_space<vmem>> -> memref<1x128xi32, #tpu.memory_space<vmem>>
    %dma_start3A_119 = tpu.memref_squeeze %dma_start3A_118 : memref<1x128xi32, #tpu.memory_space<vmem>> -> memref<128xi32, #tpu.memory_space<vmem>>
    %dma_start3A_120 = arith.constant 0 : i32
    %dma_start3A_121 = arith.constant 0 : i32
    %dma_start3A_122 = tpu.memref_slice %arg2[%dma_start3A_120, %dma_start3A_121] : memref<8192x128xf32, #tpu.memory_space<hbm>> -> memref<8192x128xf32, #tpu.memory_space<hbm>>
    tpu.enqueue_indirect_dma source(%dma_start3A_122 : memref<8192x128xf32, #tpu.memory_space<hbm>>) target(%dma_start3A_116 : memref<128x128xf32, #tpu.memory_space<vmem>>) offsets(%dma_start3A_119 : memref<128xi32, #tpu.memory_space<vmem>>) semaphore(%arg7 : memref<!tpu.dma_semaphore, #tpu.memory_space<semaphore_mem>>)
    %dma_wait3A_123 = arith.constant 4 : i32
    %dma_wait3A_124 = arith.constant 0 : i32
    %dma_wait3A_125 = arith.constant 0 : i32
    %dma_wait3A_126 = tpu.memref_slice %arg6[%dma_wait3A_124, %dma_wait3A_125] : memref<512x128xf32, #tpu.memory_space<vmem>> -> memref<128x128xf32, #tpu.memory_space<vmem>>
    %dma_wait3A_127 = arith.constant 0 : i32
    %dma_wait3A_128 = tpu.memref_slice %arg5[%dma_wait3A_123, %dma_wait3A_127] : memref<16x128xi32, #tpu.memory_space<vmem>> -> memref<1x128xi32, #tpu.memory_space<vmem>>
    %dma_wait3A_129 = tpu.memref_squeeze %dma_wait3A_128 : memref<1x128xi32, #tpu.memory_space<vmem>> -> memref<128xi32, #tpu.memory_space<vmem>>
    %dma_wait3A_130 = arith.constant 0 : i32
    %dma_wait3A_131 = arith.constant 0 : i32
    %dma_wait3A_132 = tpu.memref_slice %arg2[%dma_wait3A_130, %dma_wait3A_131] : memref<8192x128xf32, #tpu.memory_space<hbm>> -> memref<8192x128xf32, #tpu.memory_space<hbm>>
    tpu.wait_indirect_dma semaphore(%arg7 : memref<!tpu.dma_semaphore, #tpu.memory_space<semaphore_mem>>) src(%dma_wait3A_132 : memref<8192x128xf32, #tpu.memory_space<hbm>>) dst(%dma_wait3A_126 : memref<128x128xf32, #tpu.memory_space<vmem>>)
    %dma_wait3A_133 = arith.constant 5 : i32
    %dma_wait3A_134 = arith.constant 128 : i32
    %dma_wait3A_135 = arith.constant 0 : i32
    %dma_wait3A_136 = tpu.memref_slice %arg6[%dma_wait3A_134, %dma_wait3A_135] : memref<512x128xf32, #tpu.memory_space<vmem>> -> memref<128x128xf32, #tpu.memory_space<vmem>>
    %dma_wait3A_137 = arith.constant 0 : i32
    %dma_wait3A_138 = tpu.memref_slice %arg5[%dma_wait3A_133, %dma_wait3A_137] : memref<16x128xi32, #tpu.memory_space<vmem>> -> memref<1x128xi32, #tpu.memory_space<vmem>>
    %dma_wait3A_139 = tpu.memref_squeeze %dma_wait3A_138 : memref<1x128xi32, #tpu.memory_space<vmem>> -> memref<128xi32, #tpu.memory_space<vmem>>
    %dma_wait3A_140 = arith.constant 0 : i32
    %dma_wait3A_141 = arith.constant 0 : i32
    %dma_wait3A_142 = tpu.memref_slice %arg2[%dma_wait3A_140, %dma_wait3A_141] : memref<8192x128xf32, #tpu.memory_space<hbm>> -> memref<8192x128xf32, #tpu.memory_space<hbm>>
    tpu.wait_indirect_dma semaphore(%arg7 : memref<!tpu.dma_semaphore, #tpu.memory_space<semaphore_mem>>) src(%dma_wait3A_142 : memref<8192x128xf32, #tpu.memory_space<hbm>>) dst(%dma_wait3A_136 : memref<128x128xf32, #tpu.memory_space<vmem>>)
    %dma_wait3A_143 = arith.constant 6 : i32
    %dma_wait3A_144 = arith.constant 256 : i32
    %dma_wait3A_145 = arith.constant 0 : i32
    %dma_wait3A_146 = tpu.memref_slice %arg6[%dma_wait3A_144, %dma_wait3A_145] : memref<512x128xf32, #tpu.memory_space<vmem>> -> memref<128x128xf32, #tpu.memory_space<vmem>>
    %dma_wait3A_147 = arith.constant 0 : i32
    %dma_wait3A_148 = tpu.memref_slice %arg5[%dma_wait3A_143, %dma_wait3A_147] : memref<16x128xi32, #tpu.memory_space<vmem>> -> memref<1x128xi32, #tpu.memory_space<vmem>>
    %dma_wait3A_149 = tpu.memref_squeeze %dma_wait3A_148 : memref<1x128xi32, #tpu.memory_space<vmem>> -> memref<128xi32, #tpu.memory_space<vmem>>
    %dma_wait3A_150 = arith.constant 0 : i32
    %dma_wait3A_151 = arith.constant 0 : i32
    %dma_wait3A_152 = tpu.memref_slice %arg2[%dma_wait3A_150, %dma_wait3A_151] : memref<8192x128xf32, #tpu.memory_space<hbm>> -> memref<8192x128xf32, #tpu.memory_space<hbm>>
    tpu.wait_indirect_dma semaphore(%arg7 : memref<!tpu.dma_semaphore, #tpu.memory_space<semaphore_mem>>) src(%dma_wait3A_152 : memref<8192x128xf32, #tpu.memory_space<hbm>>) dst(%dma_wait3A_146 : memref<128x128xf32, #tpu.memory_space<vmem>>)
    %dma_wait3A_153 = arith.constant 7 : i32
    %dma_wait3A_154 = arith.constant 384 : i32
    %dma_wait3A_155 = arith.constant 0 : i32
    %dma_wait3A_156 = tpu.memref_slice %arg6[%dma_wait3A_154, %dma_wait3A_155] : memref<512x128xf32, #tpu.memory_space<vmem>> -> memref<128x128xf32, #tpu.memory_space<vmem>>
    %dma_wait3A_157 = arith.constant 0 : i32
    %dma_wait3A_158 = tpu.memref_slice %arg5[%dma_wait3A_153, %dma_wait3A_157] : memref<16x128xi32, #tpu.memory_space<vmem>> -> memref<1x128xi32, #tpu.memory_space<vmem>>
    %dma_wait3A_159 = tpu.memref_squeeze %dma_wait3A_158 : memref<1x128xi32, #tpu.memory_space<vmem>> -> memref<128xi32, #tpu.memory_space<vmem>>
    %dma_wait3A_160 = arith.constant 0 : i32
    %dma_wait3A_161 = arith.constant 0 : i32
    %dma_wait3A_162 = tpu.memref_slice %arg2[%dma_wait3A_160, %dma_wait3A_161] : memref<8192x128xf32, #tpu.memory_space<hbm>> -> memref<8192x128xf32, #tpu.memory_space<hbm>>
    tpu.wait_indirect_dma semaphore(%arg7 : memref<!tpu.dma_semaphore, #tpu.memory_space<semaphore_mem>>) src(%dma_wait3A_162 : memref<8192x128xf32, #tpu.memory_space<hbm>>) dst(%dma_wait3A_156 : memref<128x128xf32, #tpu.memory_space<vmem>>)
    %mul3A_163 = arith.constant 2048 : i32
    %mul3A_164 = arith.muli %add3A, %mul3A_163 : i32
    %add3A_165 = arith.constant 512 : i32
    %add3A_166 = arith.addi %mul3A_164, %add3A_165 : i32
    "tpu.region"() ({
      %run_scoped3A = tpu.sem_alloc : memref<!tpu.dma_semaphore, #tpu.memory_space<semaphore_mem>>
      %dma_start3A_335 = arith.constant 0 : i32
      %dma_start3A_336 = tpu.memref_slice %arg4[%add3A_166, %dma_start3A_335] : memref<65536x128xf32, #tpu.memory_space<hbm>> -> memref<512x128xf32, #tpu.memory_space<hbm>>
      %dma_start3A_337 = arith.constant 0 : i32
      %dma_start3A_338 = tpu.memref_slice %arg4[%add3A_166, %dma_start3A_337] : memref<65536x128xf32, #tpu.memory_space<hbm>> -> memref<512x128xf32, #tpu.memory_space<hbm>>
      tpu.enqueue_dma source(%arg6 : memref<512x128xf32, #tpu.memory_space<vmem>>) target(%dma_start3A_338 : memref<512x128xf32, #tpu.memory_space<hbm>>) target_semaphore(%run_scoped3A : memref<!tpu.dma_semaphore, #tpu.memory_space<semaphore_mem>>)
      %dma_wait3A_339 = arith.constant 0 : i32
      %dma_wait3A_340 = tpu.memref_slice %arg4[%add3A_166, %dma_wait3A_339] : memref<65536x128xf32, #tpu.memory_space<hbm>> -> memref<512x128xf32, #tpu.memory_space<hbm>>
      %dma_wait3A_341 = arith.constant 0 : i32
      %dma_wait3A_342 = tpu.memref_slice %arg4[%add3A_166, %dma_wait3A_341] : memref<65536x128xf32, #tpu.memory_space<hbm>> -> memref<512x128xf32, #tpu.memory_space<hbm>>
      tpu.wait_dma2 semaphore(%run_scoped3A : memref<!tpu.dma_semaphore, #tpu.memory_space<semaphore_mem>>) src(%arg6 : memref<512x128xf32, #tpu.memory_space<vmem>>) dst(%dma_wait3A_342 : memref<512x128xf32, #tpu.memory_space<hbm>>)
      tpu.yield
    }) : () -> ()
    %dma_start3A_167 = arith.constant 8 : i32
    %dma_start3A_168 = arith.constant 0 : i32
    %dma_start3A_169 = arith.constant 0 : i32
    %dma_start3A_170 = tpu.memref_slice %arg6[%dma_start3A_168, %dma_start3A_169] : memref<512x128xf32, #tpu.memory_space<vmem>> -> memref<128x128xf32, #tpu.memory_space<vmem>>
    %dma_start3A_171 = arith.constant 0 : i32
    %dma_start3A_172 = tpu.memref_slice %arg5[%dma_start3A_167, %dma_start3A_171] : memref<16x128xi32, #tpu.memory_space<vmem>> -> memref<1x128xi32, #tpu.memory_space<vmem>>
    %dma_start3A_173 = tpu.memref_squeeze %dma_start3A_172 : memref<1x128xi32, #tpu.memory_space<vmem>> -> memref<128xi32, #tpu.memory_space<vmem>>
    %dma_start3A_174 = arith.constant 0 : i32
    %dma_start3A_175 = arith.constant 0 : i32
    %dma_start3A_176 = tpu.memref_slice %arg2[%dma_start3A_174, %dma_start3A_175] : memref<8192x128xf32, #tpu.memory_space<hbm>> -> memref<8192x128xf32, #tpu.memory_space<hbm>>
    tpu.enqueue_indirect_dma source(%dma_start3A_176 : memref<8192x128xf32, #tpu.memory_space<hbm>>) target(%dma_start3A_170 : memref<128x128xf32, #tpu.memory_space<vmem>>) offsets(%dma_start3A_173 : memref<128xi32, #tpu.memory_space<vmem>>) semaphore(%arg7 : memref<!tpu.dma_semaphore, #tpu.memory_space<semaphore_mem>>)
    %dma_start3A_177 = arith.constant 9 : i32
    %dma_start3A_178 = arith.constant 128 : i32
    %dma_start3A_179 = arith.constant 0 : i32
    %dma_start3A_180 = tpu.memref_slice %arg6[%dma_start3A_178, %dma_start3A_179] : memref<512x128xf32, #tpu.memory_space<vmem>> -> memref<128x128xf32, #tpu.memory_space<vmem>>
    %dma_start3A_181 = arith.constant 0 : i32
    %dma_start3A_182 = tpu.memref_slice %arg5[%dma_start3A_177, %dma_start3A_181] : memref<16x128xi32, #tpu.memory_space<vmem>> -> memref<1x128xi32, #tpu.memory_space<vmem>>
    %dma_start3A_183 = tpu.memref_squeeze %dma_start3A_182 : memref<1x128xi32, #tpu.memory_space<vmem>> -> memref<128xi32, #tpu.memory_space<vmem>>
    %dma_start3A_184 = arith.constant 0 : i32
    %dma_start3A_185 = arith.constant 0 : i32
    %dma_start3A_186 = tpu.memref_slice %arg2[%dma_start3A_184, %dma_start3A_185] : memref<8192x128xf32, #tpu.memory_space<hbm>> -> memref<8192x128xf32, #tpu.memory_space<hbm>>
    tpu.enqueue_indirect_dma source(%dma_start3A_186 : memref<8192x128xf32, #tpu.memory_space<hbm>>) target(%dma_start3A_180 : memref<128x128xf32, #tpu.memory_space<vmem>>) offsets(%dma_start3A_183 : memref<128xi32, #tpu.memory_space<vmem>>) semaphore(%arg7 : memref<!tpu.dma_semaphore, #tpu.memory_space<semaphore_mem>>)
    %dma_start3A_187 = arith.constant 10 : i32
    %dma_start3A_188 = arith.constant 256 : i32
    %dma_start3A_189 = arith.constant 0 : i32
    %dma_start3A_190 = tpu.memref_slice %arg6[%dma_start3A_188, %dma_start3A_189] : memref<512x128xf32, #tpu.memory_space<vmem>> -> memref<128x128xf32, #tpu.memory_space<vmem>>
    %dma_start3A_191 = arith.constant 0 : i32
    %dma_start3A_192 = tpu.memref_slice %arg5[%dma_start3A_187, %dma_start3A_191] : memref<16x128xi32, #tpu.memory_space<vmem>> -> memref<1x128xi32, #tpu.memory_space<vmem>>
    %dma_start3A_193 = tpu.memref_squeeze %dma_start3A_192 : memref<1x128xi32, #tpu.memory_space<vmem>> -> memref<128xi32, #tpu.memory_space<vmem>>
    %dma_start3A_194 = arith.constant 0 : i32
    %dma_start3A_195 = arith.constant 0 : i32
    %dma_start3A_196 = tpu.memref_slice %arg2[%dma_start3A_194, %dma_start3A_195] : memref<8192x128xf32, #tpu.memory_space<hbm>> -> memref<8192x128xf32, #tpu.memory_space<hbm>>
    tpu.enqueue_indirect_dma source(%dma_start3A_196 : memref<8192x128xf32, #tpu.memory_space<hbm>>) target(%dma_start3A_190 : memref<128x128xf32, #tpu.memory_space<vmem>>) offsets(%dma_start3A_193 : memref<128xi32, #tpu.memory_space<vmem>>) semaphore(%arg7 : memref<!tpu.dma_semaphore, #tpu.memory_space<semaphore_mem>>)
    %dma_start3A_197 = arith.constant 11 : i32
    %dma_start3A_198 = arith.constant 384 : i32
    %dma_start3A_199 = arith.constant 0 : i32
    %dma_start3A_200 = tpu.memref_slice %arg6[%dma_start3A_198, %dma_start3A_199] : memref<512x128xf32, #tpu.memory_space<vmem>> -> memref<128x128xf32, #tpu.memory_space<vmem>>
    %dma_start3A_201 = arith.constant 0 : i32
    %dma_start3A_202 = tpu.memref_slice %arg5[%dma_start3A_197, %dma_start3A_201] : memref<16x128xi32, #tpu.memory_space<vmem>> -> memref<1x128xi32, #tpu.memory_space<vmem>>
    %dma_start3A_203 = tpu.memref_squeeze %dma_start3A_202 : memref<1x128xi32, #tpu.memory_space<vmem>> -> memref<128xi32, #tpu.memory_space<vmem>>
    %dma_start3A_204 = arith.constant 0 : i32
    %dma_start3A_205 = arith.constant 0 : i32
    %dma_start3A_206 = tpu.memref_slice %arg2[%dma_start3A_204, %dma_start3A_205] : memref<8192x128xf32, #tpu.memory_space<hbm>> -> memref<8192x128xf32, #tpu.memory_space<hbm>>
    tpu.enqueue_indirect_dma source(%dma_start3A_206 : memref<8192x128xf32, #tpu.memory_space<hbm>>) target(%dma_start3A_200 : memref<128x128xf32, #tpu.memory_space<vmem>>) offsets(%dma_start3A_203 : memref<128xi32, #tpu.memory_space<vmem>>) semaphore(%arg7 : memref<!tpu.dma_semaphore, #tpu.memory_space<semaphore_mem>>)
    %dma_wait3A_207 = arith.constant 8 : i32
    %dma_wait3A_208 = arith.constant 0 : i32
    %dma_wait3A_209 = arith.constant 0 : i32
    %dma_wait3A_210 = tpu.memref_slice %arg6[%dma_wait3A_208, %dma_wait3A_209] : memref<512x128xf32, #tpu.memory_space<vmem>> -> memref<128x128xf32, #tpu.memory_space<vmem>>
    %dma_wait3A_211 = arith.constant 0 : i32
    %dma_wait3A_212 = tpu.memref_slice %arg5[%dma_wait3A_207, %dma_wait3A_211] : memref<16x128xi32, #tpu.memory_space<vmem>> -> memref<1x128xi32, #tpu.memory_space<vmem>>
    %dma_wait3A_213 = tpu.memref_squeeze %dma_wait3A_212 : memref<1x128xi32, #tpu.memory_space<vmem>> -> memref<128xi32, #tpu.memory_space<vmem>>
    %dma_wait3A_214 = arith.constant 0 : i32
    %dma_wait3A_215 = arith.constant 0 : i32
    %dma_wait3A_216 = tpu.memref_slice %arg2[%dma_wait3A_214, %dma_wait3A_215] : memref<8192x128xf32, #tpu.memory_space<hbm>> -> memref<8192x128xf32, #tpu.memory_space<hbm>>
    tpu.wait_indirect_dma semaphore(%arg7 : memref<!tpu.dma_semaphore, #tpu.memory_space<semaphore_mem>>) src(%dma_wait3A_216 : memref<8192x128xf32, #tpu.memory_space<hbm>>) dst(%dma_wait3A_210 : memref<128x128xf32, #tpu.memory_space<vmem>>)
    %dma_wait3A_217 = arith.constant 9 : i32
    %dma_wait3A_218 = arith.constant 128 : i32
    %dma_wait3A_219 = arith.constant 0 : i32
    %dma_wait3A_220 = tpu.memref_slice %arg6[%dma_wait3A_218, %dma_wait3A_219] : memref<512x128xf32, #tpu.memory_space<vmem>> -> memref<128x128xf32, #tpu.memory_space<vmem>>
    %dma_wait3A_221 = arith.constant 0 : i32
    %dma_wait3A_222 = tpu.memref_slice %arg5[%dma_wait3A_217, %dma_wait3A_221] : memref<16x128xi32, #tpu.memory_space<vmem>> -> memref<1x128xi32, #tpu.memory_space<vmem>>
    %dma_wait3A_223 = tpu.memref_squeeze %dma_wait3A_222 : memref<1x128xi32, #tpu.memory_space<vmem>> -> memref<128xi32, #tpu.memory_space<vmem>>
    %dma_wait3A_224 = arith.constant 0 : i32
    %dma_wait3A_225 = arith.constant 0 : i32
    %dma_wait3A_226 = tpu.memref_slice %arg2[%dma_wait3A_224, %dma_wait3A_225] : memref<8192x128xf32, #tpu.memory_space<hbm>> -> memref<8192x128xf32, #tpu.memory_space<hbm>>
    tpu.wait_indirect_dma semaphore(%arg7 : memref<!tpu.dma_semaphore, #tpu.memory_space<semaphore_mem>>) src(%dma_wait3A_226 : memref<8192x128xf32, #tpu.memory_space<hbm>>) dst(%dma_wait3A_220 : memref<128x128xf32, #tpu.memory_space<vmem>>)
    %dma_wait3A_227 = arith.constant 10 : i32
    %dma_wait3A_228 = arith.constant 256 : i32
    %dma_wait3A_229 = arith.constant 0 : i32
    %dma_wait3A_230 = tpu.memref_slice %arg6[%dma_wait3A_228, %dma_wait3A_229] : memref<512x128xf32, #tpu.memory_space<vmem>> -> memref<128x128xf32, #tpu.memory_space<vmem>>
    %dma_wait3A_231 = arith.constant 0 : i32
    %dma_wait3A_232 = tpu.memref_slice %arg5[%dma_wait3A_227, %dma_wait3A_231] : memref<16x128xi32, #tpu.memory_space<vmem>> -> memref<1x128xi32, #tpu.memory_space<vmem>>
    %dma_wait3A_233 = tpu.memref_squeeze %dma_wait3A_232 : memref<1x128xi32, #tpu.memory_space<vmem>> -> memref<128xi32, #tpu.memory_space<vmem>>
    %dma_wait3A_234 = arith.constant 0 : i32
    %dma_wait3A_235 = arith.constant 0 : i32
    %dma_wait3A_236 = tpu.memref_slice %arg2[%dma_wait3A_234, %dma_wait3A_235] : memref<8192x128xf32, #tpu.memory_space<hbm>> -> memref<8192x128xf32, #tpu.memory_space<hbm>>
    tpu.wait_indirect_dma semaphore(%arg7 : memref<!tpu.dma_semaphore, #tpu.memory_space<semaphore_mem>>) src(%dma_wait3A_236 : memref<8192x128xf32, #tpu.memory_space<hbm>>) dst(%dma_wait3A_230 : memref<128x128xf32, #tpu.memory_space<vmem>>)
    %dma_wait3A_237 = arith.constant 11 : i32
    %dma_wait3A_238 = arith.constant 384 : i32
    %dma_wait3A_239 = arith.constant 0 : i32
    %dma_wait3A_240 = tpu.memref_slice %arg6[%dma_wait3A_238, %dma_wait3A_239] : memref<512x128xf32, #tpu.memory_space<vmem>> -> memref<128x128xf32, #tpu.memory_space<vmem>>
    %dma_wait3A_241 = arith.constant 0 : i32
    %dma_wait3A_242 = tpu.memref_slice %arg5[%dma_wait3A_237, %dma_wait3A_241] : memref<16x128xi32, #tpu.memory_space<vmem>> -> memref<1x128xi32, #tpu.memory_space<vmem>>
    %dma_wait3A_243 = tpu.memref_squeeze %dma_wait3A_242 : memref<1x128xi32, #tpu.memory_space<vmem>> -> memref<128xi32, #tpu.memory_space<vmem>>
    %dma_wait3A_244 = arith.constant 0 : i32
    %dma_wait3A_245 = arith.constant 0 : i32
    %dma_wait3A_246 = tpu.memref_slice %arg2[%dma_wait3A_244, %dma_wait3A_245] : memref<8192x128xf32, #tpu.memory_space<hbm>> -> memref<8192x128xf32, #tpu.memory_space<hbm>>
    tpu.wait_indirect_dma semaphore(%arg7 : memref<!tpu.dma_semaphore, #tpu.memory_space<semaphore_mem>>) src(%dma_wait3A_246 : memref<8192x128xf32, #tpu.memory_space<hbm>>) dst(%dma_wait3A_240 : memref<128x128xf32, #tpu.memory_space<vmem>>)
    %mul3A_247 = arith.constant 2048 : i32
    %mul3A_248 = arith.muli %add3A, %mul3A_247 : i32
    %add3A_249 = arith.constant 1024 : i32
    %add3A_250 = arith.addi %mul3A_248, %add3A_249 : i32
    "tpu.region"() ({
      %run_scoped3A = tpu.sem_alloc : memref<!tpu.dma_semaphore, #tpu.memory_space<semaphore_mem>>
      %dma_start3A_335 = arith.constant 0 : i32
      %dma_start3A_336 = tpu.memref_slice %arg4[%add3A_250, %dma_start3A_335] : memref<65536x128xf32, #tpu.memory_space<hbm>> -> memref<512x128xf32, #tpu.memory_space<hbm>>
      %dma_start3A_337 = arith.constant 0 : i32
      %dma_start3A_338 = tpu.memref_slice %arg4[%add3A_250, %dma_start3A_337] : memref<65536x128xf32, #tpu.memory_space<hbm>> -> memref<512x128xf32, #tpu.memory_space<hbm>>
      tpu.enqueue_dma source(%arg6 : memref<512x128xf32, #tpu.memory_space<vmem>>) target(%dma_start3A_338 : memref<512x128xf32, #tpu.memory_space<hbm>>) target_semaphore(%run_scoped3A : memref<!tpu.dma_semaphore, #tpu.memory_space<semaphore_mem>>)
      %dma_wait3A_339 = arith.constant 0 : i32
      %dma_wait3A_340 = tpu.memref_slice %arg4[%add3A_250, %dma_wait3A_339] : memref<65536x128xf32, #tpu.memory_space<hbm>> -> memref<512x128xf32, #tpu.memory_space<hbm>>
      %dma_wait3A_341 = arith.constant 0 : i32
      %dma_wait3A_342 = tpu.memref_slice %arg4[%add3A_250, %dma_wait3A_341] : memref<65536x128xf32, #tpu.memory_space<hbm>> -> memref<512x128xf32, #tpu.memory_space<hbm>>
      tpu.wait_dma2 semaphore(%run_scoped3A : memref<!tpu.dma_semaphore, #tpu.memory_space<semaphore_mem>>) src(%arg6 : memref<512x128xf32, #tpu.memory_space<vmem>>) dst(%dma_wait3A_342 : memref<512x128xf32, #tpu.memory_space<hbm>>)
      tpu.yield
    }) : () -> ()
    %dma_start3A_251 = arith.constant 12 : i32
    %dma_start3A_252 = arith.constant 0 : i32
    %dma_start3A_253 = arith.constant 0 : i32
    %dma_start3A_254 = tpu.memref_slice %arg6[%dma_start3A_252, %dma_start3A_253] : memref<512x128xf32, #tpu.memory_space<vmem>> -> memref<128x128xf32, #tpu.memory_space<vmem>>
    %dma_start3A_255 = arith.constant 0 : i32
    %dma_start3A_256 = tpu.memref_slice %arg5[%dma_start3A_251, %dma_start3A_255] : memref<16x128xi32, #tpu.memory_space<vmem>> -> memref<1x128xi32, #tpu.memory_space<vmem>>
    %dma_start3A_257 = tpu.memref_squeeze %dma_start3A_256 : memref<1x128xi32, #tpu.memory_space<vmem>> -> memref<128xi32, #tpu.memory_space<vmem>>
    %dma_start3A_258 = arith.constant 0 : i32
    %dma_start3A_259 = arith.constant 0 : i32
    %dma_start3A_260 = tpu.memref_slice %arg2[%dma_start3A_258, %dma_start3A_259] : memref<8192x128xf32, #tpu.memory_space<hbm>> -> memref<8192x128xf32, #tpu.memory_space<hbm>>
    tpu.enqueue_indirect_dma source(%dma_start3A_260 : memref<8192x128xf32, #tpu.memory_space<hbm>>) target(%dma_start3A_254 : memref<128x128xf32, #tpu.memory_space<vmem>>) offsets(%dma_start3A_257 : memref<128xi32, #tpu.memory_space<vmem>>) semaphore(%arg7 : memref<!tpu.dma_semaphore, #tpu.memory_space<semaphore_mem>>)
    %dma_start3A_261 = arith.constant 13 : i32
    %dma_start3A_262 = arith.constant 128 : i32
    %dma_start3A_263 = arith.constant 0 : i32
    %dma_start3A_264 = tpu.memref_slice %arg6[%dma_start3A_262, %dma_start3A_263] : memref<512x128xf32, #tpu.memory_space<vmem>> -> memref<128x128xf32, #tpu.memory_space<vmem>>
    %dma_start3A_265 = arith.constant 0 : i32
    %dma_start3A_266 = tpu.memref_slice %arg5[%dma_start3A_261, %dma_start3A_265] : memref<16x128xi32, #tpu.memory_space<vmem>> -> memref<1x128xi32, #tpu.memory_space<vmem>>
    %dma_start3A_267 = tpu.memref_squeeze %dma_start3A_266 : memref<1x128xi32, #tpu.memory_space<vmem>> -> memref<128xi32, #tpu.memory_space<vmem>>
    %dma_start3A_268 = arith.constant 0 : i32
    %dma_start3A_269 = arith.constant 0 : i32
    %dma_start3A_270 = tpu.memref_slice %arg2[%dma_start3A_268, %dma_start3A_269] : memref<8192x128xf32, #tpu.memory_space<hbm>> -> memref<8192x128xf32, #tpu.memory_space<hbm>>
    tpu.enqueue_indirect_dma source(%dma_start3A_270 : memref<8192x128xf32, #tpu.memory_space<hbm>>) target(%dma_start3A_264 : memref<128x128xf32, #tpu.memory_space<vmem>>) offsets(%dma_start3A_267 : memref<128xi32, #tpu.memory_space<vmem>>) semaphore(%arg7 : memref<!tpu.dma_semaphore, #tpu.memory_space<semaphore_mem>>)
    %dma_start3A_271 = arith.constant 14 : i32
    %dma_start3A_272 = arith.constant 256 : i32
    %dma_start3A_273 = arith.constant 0 : i32
    %dma_start3A_274 = tpu.memref_slice %arg6[%dma_start3A_272, %dma_start3A_273] : memref<512x128xf32, #tpu.memory_space<vmem>> -> memref<128x128xf32, #tpu.memory_space<vmem>>
    %dma_start3A_275 = arith.constant 0 : i32
    %dma_start3A_276 = tpu.memref_slice %arg5[%dma_start3A_271, %dma_start3A_275] : memref<16x128xi32, #tpu.memory_space<vmem>> -> memref<1x128xi32, #tpu.memory_space<vmem>>
    %dma_start3A_277 = tpu.memref_squeeze %dma_start3A_276 : memref<1x128xi32, #tpu.memory_space<vmem>> -> memref<128xi32, #tpu.memory_space<vmem>>
    %dma_start3A_278 = arith.constant 0 : i32
    %dma_start3A_279 = arith.constant 0 : i32
    %dma_start3A_280 = tpu.memref_slice %arg2[%dma_start3A_278, %dma_start3A_279] : memref<8192x128xf32, #tpu.memory_space<hbm>> -> memref<8192x128xf32, #tpu.memory_space<hbm>>
    tpu.enqueue_indirect_dma source(%dma_start3A_280 : memref<8192x128xf32, #tpu.memory_space<hbm>>) target(%dma_start3A_274 : memref<128x128xf32, #tpu.memory_space<vmem>>) offsets(%dma_start3A_277 : memref<128xi32, #tpu.memory_space<vmem>>) semaphore(%arg7 : memref<!tpu.dma_semaphore, #tpu.memory_space<semaphore_mem>>)
    %dma_start3A_281 = arith.constant 15 : i32
    %dma_start3A_282 = arith.constant 384 : i32
    %dma_start3A_283 = arith.constant 0 : i32
    %dma_start3A_284 = tpu.memref_slice %arg6[%dma_start3A_282, %dma_start3A_283] : memref<512x128xf32, #tpu.memory_space<vmem>> -> memref<128x128xf32, #tpu.memory_space<vmem>>
    %dma_start3A_285 = arith.constant 0 : i32
    %dma_start3A_286 = tpu.memref_slice %arg5[%dma_start3A_281, %dma_start3A_285] : memref<16x128xi32, #tpu.memory_space<vmem>> -> memref<1x128xi32, #tpu.memory_space<vmem>>
    %dma_start3A_287 = tpu.memref_squeeze %dma_start3A_286 : memref<1x128xi32, #tpu.memory_space<vmem>> -> memref<128xi32, #tpu.memory_space<vmem>>
    %dma_start3A_288 = arith.constant 0 : i32
    %dma_start3A_289 = arith.constant 0 : i32
    %dma_start3A_290 = tpu.memref_slice %arg2[%dma_start3A_288, %dma_start3A_289] : memref<8192x128xf32, #tpu.memory_space<hbm>> -> memref<8192x128xf32, #tpu.memory_space<hbm>>
    tpu.enqueue_indirect_dma source(%dma_start3A_290 : memref<8192x128xf32, #tpu.memory_space<hbm>>) target(%dma_start3A_284 : memref<128x128xf32, #tpu.memory_space<vmem>>) offsets(%dma_start3A_287 : memref<128xi32, #tpu.memory_space<vmem>>) semaphore(%arg7 : memref<!tpu.dma_semaphore, #tpu.memory_space<semaphore_mem>>)
    %dma_wait3A_291 = arith.constant 12 : i32
    %dma_wait3A_292 = arith.constant 0 : i32
    %dma_wait3A_293 = arith.constant 0 : i32
    %dma_wait3A_294 = tpu.memref_slice %arg6[%dma_wait3A_292, %dma_wait3A_293] : memref<512x128xf32, #tpu.memory_space<vmem>> -> memref<128x128xf32, #tpu.memory_space<vmem>>
    %dma_wait3A_295 = arith.constant 0 : i32
    %dma_wait3A_296 = tpu.memref_slice %arg5[%dma_wait3A_291, %dma_wait3A_295] : memref<16x128xi32, #tpu.memory_space<vmem>> -> memref<1x128xi32, #tpu.memory_space<vmem>>
    %dma_wait3A_297 = tpu.memref_squeeze %dma_wait3A_296 : memref<1x128xi32, #tpu.memory_space<vmem>> -> memref<128xi32, #tpu.memory_space<vmem>>
    %dma_wait3A_298 = arith.constant 0 : i32
    %dma_wait3A_299 = arith.constant 0 : i32
    %dma_wait3A_300 = tpu.memref_slice %arg2[%dma_wait3A_298, %dma_wait3A_299] : memref<8192x128xf32, #tpu.memory_space<hbm>> -> memref<8192x128xf32, #tpu.memory_space<hbm>>
    tpu.wait_indirect_dma semaphore(%arg7 : memref<!tpu.dma_semaphore, #tpu.memory_space<semaphore_mem>>) src(%dma_wait3A_300 : memref<8192x128xf32, #tpu.memory_space<hbm>>) dst(%dma_wait3A_294 : memref<128x128xf32, #tpu.memory_space<vmem>>)
    %dma_wait3A_301 = arith.constant 13 : i32
    %dma_wait3A_302 = arith.constant 128 : i32
    %dma_wait3A_303 = arith.constant 0 : i32
    %dma_wait3A_304 = tpu.memref_slice %arg6[%dma_wait3A_302, %dma_wait3A_303] : memref<512x128xf32, #tpu.memory_space<vmem>> -> memref<128x128xf32, #tpu.memory_space<vmem>>
    %dma_wait3A_305 = arith.constant 0 : i32
    %dma_wait3A_306 = tpu.memref_slice %arg5[%dma_wait3A_301, %dma_wait3A_305] : memref<16x128xi32, #tpu.memory_space<vmem>> -> memref<1x128xi32, #tpu.memory_space<vmem>>
    %dma_wait3A_307 = tpu.memref_squeeze %dma_wait3A_306 : memref<1x128xi32, #tpu.memory_space<vmem>> -> memref<128xi32, #tpu.memory_space<vmem>>
    %dma_wait3A_308 = arith.constant 0 : i32
    %dma_wait3A_309 = arith.constant 0 : i32
    %dma_wait3A_310 = tpu.memref_slice %arg2[%dma_wait3A_308, %dma_wait3A_309] : memref<8192x128xf32, #tpu.memory_space<hbm>> -> memref<8192x128xf32, #tpu.memory_space<hbm>>
    tpu.wait_indirect_dma semaphore(%arg7 : memref<!tpu.dma_semaphore, #tpu.memory_space<semaphore_mem>>) src(%dma_wait3A_310 : memref<8192x128xf32, #tpu.memory_space<hbm>>) dst(%dma_wait3A_304 : memref<128x128xf32, #tpu.memory_space<vmem>>)
    %dma_wait3A_311 = arith.constant 14 : i32
    %dma_wait3A_312 = arith.constant 256 : i32
    %dma_wait3A_313 = arith.constant 0 : i32
    %dma_wait3A_314 = tpu.memref_slice %arg6[%dma_wait3A_312, %dma_wait3A_313] : memref<512x128xf32, #tpu.memory_space<vmem>> -> memref<128x128xf32, #tpu.memory_space<vmem>>
    %dma_wait3A_315 = arith.constant 0 : i32
    %dma_wait3A_316 = tpu.memref_slice %arg5[%dma_wait3A_311, %dma_wait3A_315] : memref<16x128xi32, #tpu.memory_space<vmem>> -> memref<1x128xi32, #tpu.memory_space<vmem>>
    %dma_wait3A_317 = tpu.memref_squeeze %dma_wait3A_316 : memref<1x128xi32, #tpu.memory_space<vmem>> -> memref<128xi32, #tpu.memory_space<vmem>>
    %dma_wait3A_318 = arith.constant 0 : i32
    %dma_wait3A_319 = arith.constant 0 : i32
    %dma_wait3A_320 = tpu.memref_slice %arg2[%dma_wait3A_318, %dma_wait3A_319] : memref<8192x128xf32, #tpu.memory_space<hbm>> -> memref<8192x128xf32, #tpu.memory_space<hbm>>
    tpu.wait_indirect_dma semaphore(%arg7 : memref<!tpu.dma_semaphore, #tpu.memory_space<semaphore_mem>>) src(%dma_wait3A_320 : memref<8192x128xf32, #tpu.memory_space<hbm>>) dst(%dma_wait3A_314 : memref<128x128xf32, #tpu.memory_space<vmem>>)
    %dma_wait3A_321 = arith.constant 15 : i32
    %dma_wait3A_322 = arith.constant 384 : i32
    %dma_wait3A_323 = arith.constant 0 : i32
    %dma_wait3A_324 = tpu.memref_slice %arg6[%dma_wait3A_322, %dma_wait3A_323] : memref<512x128xf32, #tpu.memory_space<vmem>> -> memref<128x128xf32, #tpu.memory_space<vmem>>
    %dma_wait3A_325 = arith.constant 0 : i32
    %dma_wait3A_326 = tpu.memref_slice %arg5[%dma_wait3A_321, %dma_wait3A_325] : memref<16x128xi32, #tpu.memory_space<vmem>> -> memref<1x128xi32, #tpu.memory_space<vmem>>
    %dma_wait3A_327 = tpu.memref_squeeze %dma_wait3A_326 : memref<1x128xi32, #tpu.memory_space<vmem>> -> memref<128xi32, #tpu.memory_space<vmem>>
    %dma_wait3A_328 = arith.constant 0 : i32
    %dma_wait3A_329 = arith.constant 0 : i32
    %dma_wait3A_330 = tpu.memref_slice %arg2[%dma_wait3A_328, %dma_wait3A_329] : memref<8192x128xf32, #tpu.memory_space<hbm>> -> memref<8192x128xf32, #tpu.memory_space<hbm>>
    tpu.wait_indirect_dma semaphore(%arg7 : memref<!tpu.dma_semaphore, #tpu.memory_space<semaphore_mem>>) src(%dma_wait3A_330 : memref<8192x128xf32, #tpu.memory_space<hbm>>) dst(%dma_wait3A_324 : memref<128x128xf32, #tpu.memory_space<vmem>>)
    %mul3A_331 = arith.constant 2048 : i32
    %mul3A_332 = arith.muli %add3A, %mul3A_331 : i32
    %add3A_333 = arith.constant 1536 : i32
    %add3A_334 = arith.addi %mul3A_332, %add3A_333 : i32
    "tpu.region"() ({
      %run_scoped3A = tpu.sem_alloc : memref<!tpu.dma_semaphore, #tpu.memory_space<semaphore_mem>>
      %dma_start3A_335 = arith.constant 0 : i32
      %dma_start3A_336 = tpu.memref_slice %arg4[%add3A_334, %dma_start3A_335] : memref<65536x128xf32, #tpu.memory_space<hbm>> -> memref<512x128xf32, #tpu.memory_space<hbm>>
      %dma_start3A_337 = arith.constant 0 : i32
      %dma_start3A_338 = tpu.memref_slice %arg4[%add3A_334, %dma_start3A_337] : memref<65536x128xf32, #tpu.memory_space<hbm>> -> memref<512x128xf32, #tpu.memory_space<hbm>>
      tpu.enqueue_dma source(%arg6 : memref<512x128xf32, #tpu.memory_space<vmem>>) target(%dma_start3A_338 : memref<512x128xf32, #tpu.memory_space<hbm>>) target_semaphore(%run_scoped3A : memref<!tpu.dma_semaphore, #tpu.memory_space<semaphore_mem>>)
      %dma_wait3A_339 = arith.constant 0 : i32
      %dma_wait3A_340 = tpu.memref_slice %arg4[%add3A_334, %dma_wait3A_339] : memref<65536x128xf32, #tpu.memory_space<hbm>> -> memref<512x128xf32, #tpu.memory_space<hbm>>
      %dma_wait3A_341 = arith.constant 0 : i32
      %dma_wait3A_342 = tpu.memref_slice %arg4[%add3A_334, %dma_wait3A_341] : memref<65536x128xf32, #tpu.memory_space<hbm>> -> memref<512x128xf32, #tpu.memory_space<hbm>>
      tpu.wait_dma2 semaphore(%run_scoped3A : memref<!tpu.dma_semaphore, #tpu.memory_space<semaphore_mem>>) src(%arg6 : memref<512x128xf32, #tpu.memory_space<vmem>>) dst(%dma_wait3A_342 : memref<512x128xf32, #tpu.memory_space<hbm>>)
      tpu.yield
    }) : () -> ()
    return
  }
}

module attributes {stable_mosaic.version = 14 : i64} {
  func.func @_loss_kernel(%arg0: i32, %arg1: memref<2048x32xf32, #tpu.memory_space<vmem>>, %arg2: memref<2048x32xf32, #tpu.memory_space<vmem>>, %arg3: memref<1x1xf32, #tpu.memory_space<vmem>>) attributes {dimension_semantics = [#tpu.dimension_semantics<arbitrary>], iteration_bounds = array<i64: 32>, scalar_prefetch = 0 : i64, scratch_operands = 0 : i64, tpu.core_type = #tpu.core_type<tc>, window_params = [{transform_indices = @transform_0, window_bounds = array<i64: 2048, 32>}, {transform_indices = @transform_1, window_bounds = array<i64: 2048, 32>}, {pipeline_mode = #tpu.pipeline_mode<synchronous>, transform_indices = @transform_2, window_bounds = array<i64: 1, 1>}]} {
    %get3A = arith.constant 0 : index
    %get3A_0 = arith.constant 0 : index
    %get3A_1 = vector.load %arg1[%get3A, %get3A_0] : memref<2048x32xf32, #tpu.memory_space<vmem>>, vector<2048x32xf32>
    %get3A_2 = arith.constant 0 : index
    %get3A_3 = arith.constant 0 : index
    %get3A_4 = vector.load %arg2[%get3A_2, %get3A_3] : memref<2048x32xf32, #tpu.memory_space<vmem>>, vector<2048x32xf32>
    %sub3A = arith.subf %get3A_1, %get3A_4 : vector<2048x32xf32>
    %mul3A = arith.mulf %sub3A, %sub3A : vector<2048x32xf32>
    %reduce_sum3A = vector.shape_cast %mul3A : vector<2048x32xf32> to vector<1x2048x32xf32>
    %reduce_sum3A_5 = arith.constant dense<0.000000e+00> : vector<1xf32>
    %reduce_sum3A_6 = vector.multi_reduction <add>, %reduce_sum3A, %reduce_sum3A_5 [1, 2] : vector<1x2048x32xf32> to vector<1xf32>
    %reduce_sum3A_7 = vector.shape_cast %reduce_sum3A_6 : vector<1xf32> to vector<1x1x1xf32>
    %reduce_sum3A_8 = vector.extract %reduce_sum3A_7[0, 0, 0] : f32 from vector<1x1x1xf32>
    %broadcast_in_dim3A = vector.broadcast %reduce_sum3A_8 : f32 to vector<1x1xf32>
    %eq3A = arith.constant 0 : i32
    %eq3A_9 = arith.cmpi eq, %arg0, %eq3A : i32
    %convert_element_type3A = arith.extui %eq3A_9 : i1 to i32
    %cond3A = arith.constant 0 : i32
    %cond3A_10 = arith.cmpi ne, %convert_element_type3A, %cond3A : i32
    scf.if %cond3A_10 {
      %broadcast_in_dim3A_21 = arith.constant 0.000000e+00 : f32
      %broadcast_in_dim3A_22 = vector.broadcast %broadcast_in_dim3A_21 : f32 to vector<1x1xf32>
      %swap3A_23 = arith.constant 0 : index
      %swap3A_24 = arith.constant 0 : index
      %swap3A_25 = vector.load %arg3[%swap3A_23, %swap3A_24] : memref<1x1xf32, #tpu.memory_space<vmem>>, vector<1x1xf32>
      tpu.vector_store %arg3[%swap3A_23, %swap3A_24], %broadcast_in_dim3A_22 {strides = array<i32>} : memref<1x1xf32, #tpu.memory_space<vmem>>, vector<1x1xf32>,
    } else {
    }
    %get3A_11 = arith.constant 0 : index
    %get3A_12 = arith.constant 0 : index
    %get3A_13 = vector.load %arg3[%get3A_11, %get3A_12] : memref<1x1xf32, #tpu.memory_space<vmem>>, vector<1x1xf32>
    %add3A = arith.addf %get3A_13, %broadcast_in_dim3A : vector<1x1xf32>
    %swap3A = arith.constant 0 : index
    %swap3A_14 = arith.constant 0 : index
    %swap3A_15 = vector.load %arg3[%swap3A, %swap3A_14] : memref<1x1xf32, #tpu.memory_space<vmem>>, vector<1x1xf32>
    tpu.vector_store %arg3[%swap3A, %swap3A_14], %add3A {strides = array<i32>} : memref<1x1xf32, #tpu.memory_space<vmem>>, vector<1x1xf32>,
    %eq3A_16 = arith.constant 31 : i32
    %eq3A_17 = arith.cmpi eq, %arg0, %eq3A_16 : i32
    %convert_element_type3A_18 = arith.extui %eq3A_17 : i1 to i32
    %cond3A_19 = arith.constant 0 : i32
    %cond3A_20 = arith.cmpi ne, %convert_element_type3A_18, %cond3A_19 : i32
    scf.if %cond3A_20 {
      %get3A_21 = arith.constant 0 : index
      %get3A_22 = arith.constant 0 : index
      %get3A_23 = vector.load %arg3[%get3A_21, %get3A_22] : memref<1x1xf32, #tpu.memory_space<vmem>>, vector<1x1xf32>
      %div3A = arith.constant 0x4A000000 : f32
      %div3A_24 = vector.broadcast %div3A : f32 to vector<1x1xf32>
      %div3A_25 = arith.divf %get3A_23, %div3A_24 : vector<1x1xf32>
      %swap3A_26 = arith.constant 0 : index
      %swap3A_27 = arith.constant 0 : index
      %swap3A_28 = vector.load %arg3[%swap3A_26, %swap3A_27] : memref<1x1xf32, #tpu.memory_space<vmem>>, vector<1x1xf32>
      tpu.vector_store %arg3[%swap3A_26, %swap3A_27], %div3A_25 {strides = array<i32>} : memref<1x1xf32, #tpu.memory_space<vmem>>, vector<1x1xf32>,
    } else {
    }
    return
  }
  func.func @transform_0(%arg0: i32) -> (i32, i32) {
    %c0_i32 = arith.constant 0 : i32
    %c0_i32_0 = arith.constant 0 : i32
    return %arg0, %c0_i32 : i32, i32
  }
  func.func @transform_1(%arg0: i32) -> (i32, i32) {
    %c0_i32 = arith.constant 0 : i32
    %c0_i32_0 = arith.constant 0 : i32
    return %arg0, %c0_i32 : i32, i32
  }
  func.func @transform_2(%arg0: i32) -> (i32, i32) {
    %c0_i32 = arith.constant 0 : i32
    %c0_i32_0 = arith.constant 0 : i32
    %c0_i32_1 = arith.constant 0 : i32
    return %c0_i32, %c0_i32_0 : i32, i32
  }
}

</mosaic_0001>

<sc_bundles>
// kernel: kernel.4.cloned.1.call-start
scs
__scs_entry_jumppad:
0x0: {  	(pc) =	sbr.rel $0x88, $3  }
0x1: {  	(tag) =	ssettag $0x0;
	lr =	simm.s32 $0x1  }
0x2: {  	[smem:$0x3F9F] =	sst lr;
	_ =	strace $0xD0000000  }
0x3: {  	_ = 	snop  }
0x4: {  	_ = 	snop  }
0x5: {  	_ = 	snop  }
0x6: {  	_ = 	snop  }
0x7: {  	_ = 	snop  }
__scs_overlays_trampoline_lowered:
0x8: {  	[smem:$0x3FAE] =	sst s0  }
0x9: {  	[smem:$0x3FAF] =	sst s1  }
0xa: {  	[smem:$0x3FB0] =	sst s2  }
0xb: {  	[smem:$0x3FB1] =	sst s3  }
0xc: {  	[smem:$0x3FB2] =	sst s4  }
0xd: {  	[smem:$0x3FB3] =	sst s5  }
0xe: {  	[smem:$0x3FB4] =	sst s6  }
0xf: {  	[smem:$0x3FB5] =	sst s7  }
0x10: {  	[smem:$0x3FB6] =	sst s8  }
0x11: {  	[smem:$0x3FB7] =	sst s9;
	s0 =	simm.s32 @!p0 $0x0  }
0x12: {  	s1 =	sld [smem:$0x3F9D];
	s0 =	simm.s32 @p0 $0x1  }
0x13: {  	[smem:$0x3FB8] =	sst s0;
	s0 =	simm.s32 @!p1 $0x0  }
0x14: {  	s2 =	sld [smem:$0x3F9C];
	s0 =	simm.s32 @p1 $0x1  }
0x15: {  	[smem:$0x3FB9] =	sst s0;
	s0 =	simm.s32 @!p2 $0x0  }
0x16: {  	s3 =	sld [smem:$0x3FDB];
	s0 =	simm.s32 @p2 $0x1  }
0x17: {  	s4 =	simm.s32 $0x1BF5;
	[smem:$0x3FBB] =	sst s0  }
0x18: {  	s0 =	sld [smem:$0x3F9E];
	_ =	swait.ge [sflag:s4], $0x0  }
0x19: {  	s7 =	sld [smem:$0x3F9F]  }
0x1a: {  	s8 =	sadd.s32 $0xFFFFE003, lr  }
0x1b: {  	s9 =	sadd.s32 $0xFFFFFEF7, lr;
	s5 =	simm.s32 $0xFFFFFFFF;
	p2 =	slt.u32 s8, $0xFFFFF086  }
0x1c: {  	p1 =	slt.u32 s9, $0xF7A;
	s5 =	simm.s32 @!p2 $0x0  }
0x1d: {  	s5 =	simm.s32 @p1 $0x1;
	p0 =	seq.s32 s7, s2  }
0x1e: {  	s7 =	smul.u32 @!p0 $0xF7A, s2;
	p2 =	seq.s32 @!p0 s5, $0x0  }
0x1f: {  	s9 =	smul.u32 $0xF7A, s1;
	s8 =	simm.s32 @!p0 $0x1BF5;
	p2 =	por !p2, p0  }
0x20: {  	[sflag:s8] =	ssyncset.s32 @!p0 $0xFFFFF086;
	s6 =	sadd.s32 @!p0 s3, s7;
	s7 =	simm.s32 @!p0 $0x108  }
0x21: {  	s3 =	sadd.s32 s3, s9;
	s6 =	sadd.s32 @!p0 $0x88, s6;
	s7 =	simm.s32 @p2 $0x1082  }
0x22: {  	[simem:s7], [sflag:s8] =	dma.local @!p0 [hbm:s6], $0xF7A  }
0x23: {  	s9 =	sor.u32 $0xD0000000, s2;
	s6 =	simm.s32 $0x108;
	_ =	swait.ge @!p0 [sflag:s8], $0x0  }
0x24: {  	s3 =	sadd.s32 $0x88, s3;
	s6 =	simm.s32 @!p1 $0x1082;
	[sflag:s4] =	ssyncset.s32 $0xFFFFF086  }
0x25: {  	[simem:s6], [sflag:s4] =	dma.local [hbm:s3], $0xF7A  }
0x26: {  	[smem:$0x3F9F] =	sst s1;
	(tag) =	ssettag s2;
	_ =	strace s9  }
0x27: {  	s1 =	sld [smem:$0x3FAF]  }
0x28: {  	s2 =	sld [smem:$0x3FB0]  }
0x29: {  	s4 =	sld [smem:$0x3FB2]  }
0x2a: {  	p0 =	seq.s32 s5, $0x0;
	s5 =	sld [smem:$0x3FB3]  }
0x2b: {  	s6 =	sld [smem:$0x3FB4]  }
0x2c: {  	s7 =	sld [smem:$0x3FB5]  }
0x2d: {  	s3 =	simm.s32 $0x108;
	s8 =	sld [smem:$0x3FB6]  }
0x2e: {  	s3 =	simm.s32 @!p0 $0x1082;
	s9 =	sld [smem:$0x3FB7]  }
0x2f: {  	lr =	sadd.s32 s0, s3;
	s0 =	sld [smem:$0x3FAE]  }
0x30: {  	s3 =	sld [smem:$0x3FB1]  }
0x31: {  	[smem:$0x3FBA] =	sst s10  }
0x32: {  	s10 =	sld [smem:$0x3FB8];
	_ =	sdelay $0x3  }
0x33: {  	p0 =	seq.s32 s10, $0x1;
	s10 =	sld [smem:$0x3FBA];
	_ =	sdelay $0x3  }
0x34: {  	[smem:$0x3FBA] =	sst s10  }
0x35: {  	s10 =	sld [smem:$0x3FB9];
	_ =	sdelay $0x3  }
0x36: {  	p1 =	seq.s32 s10, $0x1;
	s10 =	sld [smem:$0x3FBA];
	_ =	sdelay $0x3  }
0x37: {  	[smem:$0x3FBA] =	sst s10  }
0x38: {  	s10 =	sld [smem:$0x3FBB]  }
0x39: {  	_ = 	snop;
	(pc) =	sbr.ind lr, $3  }
0x3a: {  	_ = 	snop  }
0x3b: {  	_ = 	snop  }
0x3c: {  	p2 =	seq.s32 s10, $0x1;
	s10 =	sld [smem:$0x3FBA]  }
0x3d: {  	_ =	shalt  }
0x3e: {  	_ =	shalt  }
0x3f: {  	_ =	shalt  }
0x40: {  	_ =	shalt  }
0x41: {  	_ =	shalt  }
0x42: {  	_ =	shalt  }
0x43: {  	_ =	shalt  }
0x44: {  	_ =	shalt  }
0x45: {  	_ =	shalt  }
0x46: {  	_ =	shalt  }
0x47: {  	_ =	shalt  }
0x48: {  	_ =	shalt  }
0x49: {  	_ =	shalt  }
0x4a: {  	_ =	shalt  }
0x4b: {  	_ =	shalt  }
0x4c: {  	_ =	shalt  }
0x4d: {  	_ =	shalt  }
0x4e: {  	_ =	shalt  }
0x4f: {  	_ =	shalt  }
0x50: {  	_ =	shalt  }
0x51: {  	_ =	shalt  }
0x52: {  	_ =	shalt  }
0x53: {  	_ =	shalt  }
0x54: {  	_ =	shalt  }
0x55: {  	_ =	shalt  }
0x56: {  	_ =	shalt  }
0x57: {  	_ =	shalt  }
0x58: {  	_ =	shalt  }
0x59: {  	_ =	shalt  }
0x5a: {  	_ =	shalt  }
0x5b: {  	_ =	shalt  }
0x5c: {  	_ =	shalt  }
0x5d: {  	_ =	shalt  }
0x5e: {  	_ =	shalt  }
0x5f: {  	_ =	shalt  }
0x60: {  	_ =	shalt  }
0x61: {  	_ =	shalt  }
0x62: {  	_ =	shalt  }
0x63: {  	_ =	shalt  }
0x64: {  	_ =	shalt  }
0x65: {  	_ =	shalt  }
0x66: {  	_ =	shalt  }
0x67: {  	_ =	shalt  }
0x68: {  	_ =	shalt  }
0x69: {  	_ =	shalt  }
0x6a: {  	_ =	shalt  }
0x6b: {  	_ =	shalt  }
0x6c: {  	_ =	shalt  }
0x6d: {  	_ =	shalt  }
0x6e: {  	_ =	shalt  }
0x6f: {  	_ =	shalt  }
0x70: {  	_ =	shalt  }
0x71: {  	_ =	shalt  }
0x72: {  	_ =	shalt  }
0x73: {  	_ =	shalt  }
0x74: {  	_ =	shalt  }
0x75: {  	_ =	shalt  }
0x76: {  	_ =	shalt  }
0x77: {  	_ =	shalt  }
0x78: {  	_ =	shalt  }
0x79: {  	_ =	shalt  }
0x7a: {  	_ =	shalt  }
0x7b: {  	_ =	shalt  }
0x7c: {  	_ =	shalt  }
0x7d: {  	_ =	shalt  }
0x7e: {  	_ =	shalt  }
0x7f: {  	_ =	shalt  }
0x80: {  	_ =	shalt  }
0x81: {  	_ =	shalt  }
0x82: {  	_ =	shalt  }
0x83: {  	_ =	shalt  }
0x84: {  	_ =	shalt  }
0x85: {  	_ =	shalt  }
0x86: {  	_ =	shalt  }
0x87: {  	_ =	shalt  }
.Lfunc_end0:
.L_simem_size_0:
called_computation_lowered:
.L_overlay_start_0:
0x88: {  	s2 =	sld [smem:$0x3FD9]  }
0x89: {  	s3 =	sld [smem:$0x3FFE];
	_ =	sdelay $0x1  }
0x8a: {  	s1 =	srdreg.scid  }
0x8b: {  	s0 =	sand.u32 $0x1, s1  }
0x8c: {  	s14 =	sshll.u32 s0, $0xA;
	s2 =	sadd.s32 s3, s2  }
0x8d: {  	s2 =	sadd.s32 s2, s14  }
0x8e: {  	[smem:$0x3FC6] =	sst s2  }
0x8f: {  	_ = 	snop  }
0x90: {  	s2 =	sld [smem:$0x3FD0];
	_ =	sdelay $0x2  }
0x91: {  	s15 =	simm.s32 $0xA;
	s4 =	simm.s32 $0x10  }
0x92: {  	[smem:s4], [sflag:s15] =	dma.local [hbm:s2], $0x1  }
0x93: {  	_ =	swait.eq [sflag:s15], $0x1  }
0x94: {  	[sflag:s15] =	ssyncset.done $0x0  }
0x95: {  	[sflag:s15] =	ssyncadd.s32 $0xFFFFFFFF  }
0x96: {  	s16 =	sld [smem:$0x10];
	(tm) =	ssettm $0x1  }
0x97: {  	s17 =	sld [smem:$0x3FFB];
	_ =	sdelay $0x3  }
0x98: {  	_ =	strace s17  }
0x99: {  	s3 =	sld [smem:$0x3FFC];
	_ =	sdelay $0x3  }
0x9a: {  	_ =	strace s3  }
0x9b: {  	s3 =	sld [smem:$0x3FFD];
	_ =	sdelay $0x3  }
0x9c: {  	_ =	strace s3  }
0x9d: {  	_ =	strace $0x8FFFFFFF  }
0x9e: {  	s18 =	sld [smem:$0x3FDB];
	_ =	sdelay $0x1  }
0x9f: {  	s19 =	simm.s32 $_scs_section_size  }
0xa0: {  	s5 =	simm.s32 $_size__tile_overlayer_lowered;
	s6 =	simm.s32 $_tile_overlayer_lowered  }
0xa1: {  	s22 =	simm.s32 $0x1BFF;
	s21 =	sshll.u32 s6, $0x1;
	s3 =	sadd.s32 s19, s18  }
0xa2: {  	s7 =	simm.s32 $0x0;
	s20 =	sshll.u32 s5, $0x1;
	s5 =	sadd.s32 s21, s3  }
0xa3: {  	[timem:s7], [sflag:s22] =	dma.local [hbm:s5], s20  }
0xa4: {  	_ =	swait.ge [sflag:s22], s20  }
0xa5: {  	s4 =	ssub.s32 $0x0, s20;
	[sflag:s22] =	ssyncset.done $0x0  }
0xa6: {  	[sflag:s22] =	ssyncadd.s32 s4;
	_ =	sdelay $0x1  }
0xa7: {  	s23 =	simm.s32 $0x1B8B  }
0xa8: {  	_ =	swait.ge [sflag:s23], $0x1  }
0xa9: {  	[sflag:s23] =	ssyncset.done $0x0  }
0xaa: {  	s25 =	simm.s32 $0x1B8E;
	s24 =	sld [smem:$0x3FFE];
	[sflag:s23] =	ssyncadd.s32 $0xFFFFFFFF  }
0xab: {  	s26 =	simm.s32 $execute0_lowered;
	[smem:$0x3FD2] =	sst s25  }
0xac: {  	s5 =	sshll.u32 s26, $0x1;
	_ =	strace $0x80000046;
	[dreg:$0x1] =	wrdreg $0xFFFFFFFF  }
0xad: {  	s28 =	simm.s32 $_size_execute0_lowered;
	s3 =	sadd.s32 s3, s5;
	[dreg:$0x0] =	wrdreg $0x0  }
0xae: {  	s5 =	sshll.u32 s28, $0x1;
	[dreg:$0x2] =	wrdreg s3  }
0xaf: {  	[dreg:$0x3] =	wrdreg s5  }
0xb0: {  	[dreg:$0x4] =	wrdreg $0xC0  }
0xb1: {  	_ =	task [dreg:s7], $0x5FFFF  }
0xb2: {  	[dreg:$0x1] =	wrdreg $0xFFFFFFFF  }
0xb3: {  	[dreg:$0x0] =	wrdreg $0x60  }
0xb4: {  	[dreg:$0x2] =	wrdreg s16  }
0xb5: {  	[dreg:$0x3] =	wrdreg s24  }
0xb6: {  	[dreg:$0x4] =	wrdreg $0x9  }
0xb7: {  	_ =	task.clear_ibuf [dreg:s7], $0x5FFFF;
	_ =	strace $0x90000046  }
0xb8: {  	s29 =	simm.s32 $0x9;
	_ =	strace $0x80000048  }
0xb9: {  	_ =	swait.ge [sflag:s29], $0x1  }
0xba: {  	[sflag:s29] =	ssyncadd.s32 $0xFFFFFFFF  }
0xbb: {  	_ =	strace $0x90000048  }
0xbc: {  	_ =	sfence  }
0xbd: {  	s30 =	sld [smem:$0x0];
	_ =	sdelay $0x2  }
0xbe: {  	s31 =	sshll.u32 s1, $0xD;
	s1 =	sshrl.u32 s1, $0x2  }
0xbf: {  	s3 =	sand.u32 $0x4000, s31;
	s1 =	sadd.s32 s1, s30  }
0xc0: {  	s0 =	sor.u32 s3, s0;
	s1 =	sshll.u32 s1, $0x11  }
0xc1: {  	s0 =	sor.u32 s1, s0  }
0xc2: {  	s0 =	sadd.s32 $0x8F2B, s0  }
0xc3: {  	[sflag:s0] =	ssyncadd.remote.s32 $0x1  }
0xc4: {  	_ =	sfence.sel $0xFFFF  }
0xc5: {  	[dreg:$0x0] =	wrdreg $0xFFFFFFFF;
	(pc) =	sbr.abs _section_cstart, $3  }
0xc6: {  	[dreg:$0x1] =	wrdreg $0xFFFFFFFF  }
0xc7: {  	_ =	task.clear_ibuf [dreg:s7], $0x2FFFF;
	_ =	strace $0x9FFFFFFF  }
0xc8: {  	(tm) =	ssettm $0x7FFFFFFF  }
0xc9: {  	_ =	shalt  }
tec
execute0_lowered:
.L_overlay_start_1:
0x0: {  	(tag) =	ssettag $0x1  }
0x1: {  	s1 =	srdreg.scid  }
0x2: {  	s0 =	stileid.u32;
	s30 =	sand.u32 $0x1, s1  }
0x3: {  	s26 =	sshll.u32 s0, $0xC;
	s3 =	sshll.u32 s30, $0xB  }
0x4: {  	s2 =	rddreg [dreg:$0x0];
	s15 =	sor.u32 s3, s26  }
0x5: {  	s14 =	rddreg [dreg:$0x1];
	s3 =	simm.s32 $0x0;
	s4 =	sshrl.u32 s15, $0x3  }
0x6: {  	[smem:$0x7FF] =	sst s3;
	s4 =	sadd.s32 s4, s14  }
0x7: {  	_ =	strace $0x80000047;
	s5 =	sadd.s32 $0x100000, s4;
	s4 =	simm.s32 $0x2  }
0x8: {  	[tilespmem:s3], [sflag:$0x2] =	stream.linear.gather [hbm4b:s5+s3], $0x800, $0x38;
	[tilespmem:$0x10800] =	vst v63  }
0x9: {  	_ =	swait.ge [sflag:s4], $0x800  }
0xa: {  	[sflag:s4] =	ssyncset.done $0x0  }
0xb: {  	s6 =	simm.s32 $0x80;
	s7 =	simm.s32 $0x800;
	[sflag:s4] =	ssyncadd.s32 $0xFFFFF800  }
0xc: {  	[tilespmem:s7], [sflag:$0x1] =	stream.indirect.gather [hbm4b:s2+s6], $0x80, s3, s6, $0xb8;
	[tilespmem:$0x10800] =	vst v63  }
0xd: {  	s8 =	simm.s32 $0x4800  }
0xe: {  	[tilespmem:s8], [sflag:$0x1] =	stream.indirect.gather [hbm4b:s2+s6], $0x80, s6, s6, $0xb8;
	[tilespmem:$0x10800] =	vst v63  }
0xf: {  	s9 =	simm.s32 $0x100;
	s10 =	simm.s32 $0x8800  }
0x10: {  	[tilespmem:s10], [sflag:$0x1] =	stream.indirect.gather [hbm4b:s2+s6], $0x80, s9, s6, $0xb8;
	[tilespmem:$0x10800] =	vst v63  }
0x11: {  	s11 =	simm.s32 $0x180;
	s12 =	simm.s32 $0xC800;
	s13 =	simm.s32 $0x1  }
0x12: {  	[tilespmem:s12], [sflag:$0x1] =	stream.indirect.gather [hbm4b:s2+s6], $0x80, s11, s6, $0xb8;
	[tilespmem:$0x10800] =	vst v63  }
0x13: {  	_ =	swait.ge [sflag:s13], $0x4000  }
0x14: {  	[sflag:s13] =	ssyncset.done $0x0  }
0x15: {  	[sflag:s13] =	ssyncadd.s32 $0xFFFFC000  }
0x16: {  	_ =	swait.ge [sflag:s13], $0x4000  }
0x17: {  	[sflag:s13] =	ssyncset.done $0x0  }
0x18: {  	[sflag:s13] =	ssyncadd.s32 $0xFFFFC000  }
0x19: {  	_ =	swait.ge [sflag:s13], $0x4000  }
0x1a: {  	[sflag:s13] =	ssyncset.done $0x0  }
0x1b: {  	[sflag:s13] =	ssyncadd.s32 $0xFFFFC000  }
0x1c: {  	s15 =	sshll.u32 s15, $0x4;
	_ =	swait.ge [sflag:s13], $0x4000  }
0x1d: {  	s31 =	sadd.s32 s15, s14;
	[sflag:s13] =	ssyncset.done $0x0  }
0x1e: {  	s14 =	sadd.s32 $0x102000, s31;
	[sflag:s13] =	ssyncadd.s32 $0xFFFFC000  }
0x1f: {  	[hbm4b:s14+s3] =	stream.linear.scatter [tilespmem:s7], [sflag:$0x2], $0x10000, $0x38;
	[tilespmem:$0x10800] =	vst v63  }
0x20: {  	_ =	swait.ge [sflag:s4], $0x10000  }
0x21: {  	[sflag:s4] =	ssyncset.done $0x0  }
0x22: {  	s15 =	simm.s32 $0x200;
	[sflag:s4] =	ssyncadd.s32 $0xFFFF0000  }
0x23: {  	[tilespmem:s7], [sflag:$0x1] =	stream.indirect.gather [hbm4b:s2+s6], $0x80, s15, s6, $0xb8;
	[tilespmem:$0x10800] =	vst v63  }
0x24: {  	s16 =	simm.s32 $0x280  }
0x25: {  	[tilespmem:s8], [sflag:$0x1] =	stream.indirect.gather [hbm4b:s2+s6], $0x80, s16, s6, $0xb8;
	[tilespmem:$0x10800] =	vst v63  }
0x26: {  	s17 =	simm.s32 $0x300  }
0x27: {  	[tilespmem:s10], [sflag:$0x1] =	stream.indirect.gather [hbm4b:s2+s6], $0x80, s17, s6, $0xb8;
	[tilespmem:$0x10800] =	vst v63  }
0x28: {  	s18 =	simm.s32 $0x380  }
0x29: {  	[tilespmem:s12], [sflag:$0x1] =	stream.indirect.gather [hbm4b:s2+s6], $0x80, s18, s6, $0xb8;
	[tilespmem:$0x10800] =	vst v63  }
0x2a: {  	_ =	swait.ge [sflag:s13], $0x4000  }
0x2b: {  	[sflag:s13] =	ssyncset.done $0x0  }
0x2c: {  	[sflag:s13] =	ssyncadd.s32 $0xFFFFC000  }
0x2d: {  	_ =	swait.ge [sflag:s13], $0x4000  }
0x2e: {  	[sflag:s13] =	ssyncset.done $0x0  }
0x2f: {  	[sflag:s13] =	ssyncadd.s32 $0xFFFFC000  }
0x30: {  	_ =	swait.ge [sflag:s13], $0x4000  }
0x31: {  	[sflag:s13] =	ssyncset.done $0x0  }
0x32: {  	[sflag:s13] =	ssyncadd.s32 $0xFFFFC000  }
0x33: {  	_ =	swait.ge [sflag:s13], $0x4000  }
0x34: {  	[sflag:s13] =	ssyncset.done $0x0  }
0x35: {  	s19 =	sadd.s32 $0x104000, s31;
	[sflag:s13] =	ssyncadd.s32 $0xFFFFC000  }
0x36: {  	[hbm4b:s19+s3] =	stream.linear.scatter [tilespmem:s7], [sflag:$0x2], $0x10000, $0x38;
	[tilespmem:$0x10800] =	vst v63  }
0x37: {  	_ =	swait.ge [sflag:s4], $0x10000  }
0x38: {  	[sflag:s4] =	ssyncset.done $0x0  }
0x39: {  	s20 =	simm.s32 $0x400;
	[sflag:s4] =	ssyncadd.s32 $0xFFFF0000  }
0x3a: {  	[tilespmem:s7], [sflag:$0x1] =	stream.indirect.gather [hbm4b:s2+s6], $0x80, s20, s6, $0xb8;
	[tilespmem:$0x10800] =	vst v63  }
0x3b: {  	s21 =	simm.s32 $0x480  }
0x3c: {  	[tilespmem:s8], [sflag:$0x1] =	stream.indirect.gather [hbm4b:s2+s6], $0x80, s21, s6, $0xb8;
	[tilespmem:$0x10800] =	vst v63  }
0x3d: {  	s22 =	simm.s32 $0x500  }
0x3e: {  	[tilespmem:s10], [sflag:$0x1] =	stream.indirect.gather [hbm4b:s2+s6], $0x80, s22, s6, $0xb8;
	[tilespmem:$0x10800] =	vst v63  }
0x3f: {  	s23 =	simm.s32 $0x580  }
0x40: {  	[tilespmem:s12], [sflag:$0x1] =	stream.indirect.gather [hbm4b:s2+s6], $0x80, s23, s6, $0xb8;
	[tilespmem:$0x10800] =	vst v63  }
0x41: {  	_ =	swait.ge [sflag:s13], $0x4000  }
0x42: {  	[sflag:s13] =	ssyncset.done $0x0  }
0x43: {  	[sflag:s13] =	ssyncadd.s32 $0xFFFFC000  }
0x44: {  	_ =	swait.ge [sflag:s13], $0x4000  }
0x45: {  	[sflag:s13] =	ssyncset.done $0x0  }
0x46: {  	[sflag:s13] =	ssyncadd.s32 $0xFFFFC000  }
0x47: {  	_ =	swait.ge [sflag:s13], $0x4000  }
0x48: {  	[sflag:s13] =	ssyncset.done $0x0  }
0x49: {  	[sflag:s13] =	ssyncadd.s32 $0xFFFFC000  }
0x4a: {  	_ =	swait.ge [sflag:s13], $0x4000  }
0x4b: {  	[sflag:s13] =	ssyncset.done $0x0  }
0x4c: {  	s24 =	sadd.s32 $0x106000, s31;
	[sflag:s13] =	ssyncadd.s32 $0xFFFFC000  }
0x4d: {  	[hbm4b:s24+s3] =	stream.linear.scatter [tilespmem:s7], [sflag:$0x2], $0x10000, $0x38;
	[tilespmem:$0x10800] =	vst v63  }
0x4e: {  	_ =	swait.ge [sflag:s4], $0x10000  }
0x4f: {  	[sflag:s4] =	ssyncset.done $0x0  }
0x50: {  	s25 =	simm.s32 $0x600;
	[sflag:s4] =	ssyncadd.s32 $0xFFFF0000  }
0x51: {  	[tilespmem:s7], [sflag:$0x1] =	stream.indirect.gather [hbm4b:s2+s6], $0x80, s25, s6, $0xb8;
	[tilespmem:$0x10800] =	vst v63  }
0x52: {  	s26 =	simm.s32 $0x680  }
0x53: {  	[tilespmem:s8], [sflag:$0x1] =	stream.indirect.gather [hbm4b:s2+s6], $0x80, s26, s6, $0xb8;
	[tilespmem:$0x10800] =	vst v63  }
0x54: {  	s28 =	simm.s32 $0x700  }
0x55: {  	[tilespmem:s10], [sflag:$0x1] =	stream.indirect.gather [hbm4b:s2+s6], $0x80, s28, s6, $0xb8;
	[tilespmem:$0x10800] =	vst v63  }
0x56: {  	s29 =	simm.s32 $0x780  }
0x57: {  	[tilespmem:s12], [sflag:$0x1] =	stream.indirect.gather [hbm4b:s2+s6], $0x80, s29, s6, $0xb8;
	[tilespmem:$0x10800] =	vst v63  }
0x58: {  	_ =	swait.ge [sflag:s13], $0x4000  }
0x59: {  	[sflag:s13] =	ssyncset.done $0x0  }
0x5a: {  	[sflag:s13] =	ssyncadd.s32 $0xFFFFC000  }
0x5b: {  	_ =	swait.ge [sflag:s13], $0x4000  }
0x5c: {  	[sflag:s13] =	ssyncset.done $0x0  }
0x5d: {  	s30 =	ssub.s32 $0x2, s30;
	[sflag:s13] =	ssyncadd.s32 $0xFFFFC000  }
0x5e: {  	s1 =	sshrl.u32 s30, $0x1;
	_ =	swait.ge [sflag:s13], $0x4000  }
0x5f: {  	s1 =	ssub.s32 s30, s1;
	[sflag:s13] =	ssyncset.done $0x0  }
0x60: {  	s1 =	smax.u32 s1, $0x1;
	[sflag:s13] =	ssyncadd.s32 $0xFFFFC000  }
0x61: {  	p0 =	sne.s32 s1, $0x1;
	_ =	swait.ge [sflag:s13], $0x4000  }
.Ltmp0:
0x62: {  	[sflag:s13] =	ssyncset.done $0x0;
	(pc) =	sbr.rel @!p0 .LBB2_2-.Ltmp0, $4  }
0x63: {  	s30 =	sadd.s32 $0x108000, s31;
	[sflag:s13] =	ssyncadd.s32 $0xFFFFC000  }
0x64: {  	[hbm4b:s30+s3] =	stream.linear.scatter [tilespmem:s7], [sflag:$0x2], $0x10000, $0x38;
	[tilespmem:$0x10800] =	vst v63  }
0x65: {  	_ =	swait.ge [sflag:s4], $0x10000  }
0x66: {  	s31 =	sadd.s32 $0xFFFFFFFF, s1;
	[sflag:s4] =	ssyncset.done $0x0  }
.LBB2_1:
0x67: {  	p0 =	sne.s32 s31, $0x1;
	s31 =	sadd.s32 $0xFFFFFFFF, s31;
	[sflag:s4] =	ssyncadd.s32 $0xFFFF0000  }
0x68: {  	[tilespmem:s3], [sflag:$0x2] =	stream.linear.gather [hbm4b:s5+s3], $0x800, $0x38;
	[tilespmem:$0x10800] =	vst v63  }
0x69: {  	_ =	swait.ge [sflag:s4], $0x800  }
0x6a: {  	[sflag:s4] =	ssyncset.done $0x0  }
0x6b: {  	[sflag:s4] =	ssyncadd.s32 $0xFFFFF800  }
0x6c: {  	[tilespmem:s7], [sflag:$0x1] =	stream.indirect.gather [hbm4b:s2+s6], $0x80, s3, s6, $0xb8;
	[tilespmem:$0x10800] =	vst v63  }
0x6d: {  	_ = 	snop  }
0x6e: {  	[tilespmem:s8], [sflag:$0x1] =	stream.indirect.gather [hbm4b:s2+s6], $0x80, s6, s6, $0xb8;
	[tilespmem:$0x10800] =	vst v63  }
0x6f: {  	_ = 	snop  }
0x70: {  	[tilespmem:s10], [sflag:$0x1] =	stream.indirect.gather [hbm4b:s2+s6], $0x80, s9, s6, $0xb8;
	[tilespmem:$0x10800] =	vst v63  }
0x71: {  	_ = 	snop  }
0x72: {  	[tilespmem:s12], [sflag:$0x1] =	stream.indirect.gather [hbm4b:s2+s6], $0x80, s11, s6, $0xb8;
	[tilespmem:$0x10800] =	vst v63  }
0x73: {  	_ =	swait.ge [sflag:s13], $0x4000  }
0x74: {  	[sflag:s13] =	ssyncset.done $0x0  }
0x75: {  	[sflag:s13] =	ssyncadd.s32 $0xFFFFC000  }
0x76: {  	_ =	swait.ge [sflag:s13], $0x4000  }
0x77: {  	[sflag:s13] =	ssyncset.done $0x0  }
0x78: {  	[sflag:s13] =	ssyncadd.s32 $0xFFFFC000  }
0x79: {  	_ =	swait.ge [sflag:s13], $0x4000  }
0x7a: {  	[sflag:s13] =	ssyncset.done $0x0  }
0x7b: {  	[sflag:s13] =	ssyncadd.s32 $0xFFFFC000  }
0x7c: {  	_ =	swait.ge [sflag:s13], $0x4000  }
0x7d: {  	[sflag:s13] =	ssyncset.done $0x0  }
0x7e: {  	[sflag:s13] =	ssyncadd.s32 $0xFFFFC000  }
0x7f: {  	[hbm4b:s14+s3] =	stream.linear.scatter [tilespmem:s7], [sflag:$0x2], $0x10000, $0x38;
	[tilespmem:$0x10800] =	vst v63  }
0x80: {  	_ =	swait.ge [sflag:s4], $0x10000  }
0x81: {  	[sflag:s4] =	ssyncset.done $0x0  }
0x82: {  	[sflag:s4] =	ssyncadd.s32 $0xFFFF0000  }
0x83: {  	[tilespmem:s7], [sflag:$0x1] =	stream.indirect.gather [hbm4b:s2+s6], $0x80, s15, s6, $0xb8;
	[tilespmem:$0x10800] =	vst v63  }
0x84: {  	_ = 	snop  }
0x85: {  	[tilespmem:s8], [sflag:$0x1] =	stream.indirect.gather [hbm4b:s2+s6], $0x80, s16, s6, $0xb8;
	[tilespmem:$0x10800] =	vst v63  }
0x86: {  	_ = 	snop  }
0x87: {  	[tilespmem:s10], [sflag:$0x1] =	stream.indirect.gather [hbm4b:s2+s6], $0x80, s17, s6, $0xb8;
	[tilespmem:$0x10800] =	vst v63  }
0x88: {  	_ = 	snop  }
0x89: {  	[tilespmem:s12], [sflag:$0x1] =	stream.indirect.gather [hbm4b:s2+s6], $0x80, s18, s6, $0xb8;
	[tilespmem:$0x10800] =	vst v63  }
0x8a: {  	_ =	swait.ge [sflag:s13], $0x4000  }
0x8b: {  	[sflag:s13] =	ssyncset.done $0x0  }
0x8c: {  	[sflag:s13] =	ssyncadd.s32 $0xFFFFC000  }
0x8d: {  	_ =	swait.ge [sflag:s13], $0x4000  }
0x8e: {  	[sflag:s13] =	ssyncset.done $0x0  }
0x8f: {  	[sflag:s13] =	ssyncadd.s32 $0xFFFFC000  }
0x90: {  	_ =	swait.ge [sflag:s13], $0x4000  }
0x91: {  	[sflag:s13] =	ssyncset.done $0x0  }
0x92: {  	[sflag:s13] =	ssyncadd.s32 $0xFFFFC000  }
0x93: {  	_ =	swait.ge [sflag:s13], $0x4000  }
0x94: {  	[sflag:s13] =	ssyncset.done $0x0  }
0x95: {  	[sflag:s13] =	ssyncadd.s32 $0xFFFFC000  }
0x96: {  	[hbm4b:s19+s3] =	stream.linear.scatter [tilespmem:s7], [sflag:$0x2], $0x10000, $0x38;
	[tilespmem:$0x10800] =	vst v63  }
0x97: {  	_ =	swait.ge [sflag:s4], $0x10000  }
0x98: {  	[sflag:s4] =	ssyncset.done $0x0  }
0x99: {  	[sflag:s4] =	ssyncadd.s32 $0xFFFF0000  }
0x9a: {  	[tilespmem:s7], [sflag:$0x1] =	stream.indirect.gather [hbm4b:s2+s6], $0x80, s20, s6, $0xb8;
	[tilespmem:$0x10800] =	vst v63  }
0x9b: {  	_ = 	snop  }
0x9c: {  	[tilespmem:s8], [sflag:$0x1] =	stream.indirect.gather [hbm4b:s2+s6], $0x80, s21, s6, $0xb8;
	[tilespmem:$0x10800] =	vst v63  }
0x9d: {  	_ = 	snop  }
0x9e: {  	[tilespmem:s10], [sflag:$0x1] =	stream.indirect.gather [hbm4b:s2+s6], $0x80, s22, s6, $0xb8;
	[tilespmem:$0x10800] =	vst v63  }
0x9f: {  	_ = 	snop  }
0xa0: {  	[tilespmem:s12], [sflag:$0x1] =	stream.indirect.gather [hbm4b:s2+s6], $0x80, s23, s6, $0xb8;
	[tilespmem:$0x10800] =	vst v63  }
0xa1: {  	_ =	swait.ge [sflag:s13], $0x4000  }
0xa2: {  	[sflag:s13] =	ssyncset.done $0x0  }
0xa3: {  	[sflag:s13] =	ssyncadd.s32 $0xFFFFC000  }
0xa4: {  	_ =	swait.ge [sflag:s13], $0x4000  }
0xa5: {  	[sflag:s13] =	ssyncset.done $0x0  }
0xa6: {  	[sflag:s13] =	ssyncadd.s32 $0xFFFFC000  }
0xa7: {  	_ =	swait.ge [sflag:s13], $0x4000  }
0xa8: {  	[sflag:s13] =	ssyncset.done $0x0  }
0xa9: {  	[sflag:s13] =	ssyncadd.s32 $0xFFFFC000  }
0xaa: {  	_ =	swait.ge [sflag:s13], $0x4000  }
0xab: {  	[sflag:s13] =	ssyncset.done $0x0  }
0xac: {  	[sflag:s13] =	ssyncadd.s32 $0xFFFFC000  }
0xad: {  	[hbm4b:s24+s3] =	stream.linear.scatter [tilespmem:s7], [sflag:$0x2], $0x10000, $0x38;
	[tilespmem:$0x10800] =	vst v63  }
0xae: {  	_ =	swait.ge [sflag:s4], $0x10000  }
0xaf: {  	[sflag:s4] =	ssyncset.done $0x0  }
0xb0: {  	[sflag:s4] =	ssyncadd.s32 $0xFFFF0000  }
0xb1: {  	[tilespmem:s7], [sflag:$0x1] =	stream.indirect.gather [hbm4b:s2+s6], $0x80, s25, s6, $0xb8;
	[tilespmem:$0x10800] =	vst v63  }
0xb2: {  	_ = 	snop  }
0xb3: {  	[tilespmem:s8], [sflag:$0x1] =	stream.indirect.gather [hbm4b:s2+s6], $0x80, s26, s6, $0xb8;
	[tilespmem:$0x10800] =	vst v63  }
0xb4: {  	_ = 	snop  }
0xb5: {  	[tilespmem:s10], [sflag:$0x1] =	stream.indirect.gather [hbm4b:s2+s6], $0x80, s28, s6, $0xb8;
	[tilespmem:$0x10800] =	vst v63  }
0xb6: {  	_ = 	snop  }
0xb7: {  	[tilespmem:s12], [sflag:$0x1] =	stream.indirect.gather [hbm4b:s2+s6], $0x80, s29, s6, $0xb8;
	[tilespmem:$0x10800] =	vst v63  }
0xb8: {  	_ =	swait.ge [sflag:s13], $0x4000  }
0xb9: {  	[sflag:s13] =	ssyncset.done $0x0  }
0xba: {  	[sflag:s13] =	ssyncadd.s32 $0xFFFFC000  }
0xbb: {  	_ =	swait.ge [sflag:s13], $0x4000  }
0xbc: {  	[sflag:s13] =	ssyncset.done $0x0  }
0xbd: {  	[sflag:s13] =	ssyncadd.s32 $0xFFFFC000  }
0xbe: {  	_ =	swait.ge [sflag:s13], $0x4000  }
0xbf: {  	[sflag:s13] =	ssyncset.done $0x0  }
0xc0: {  	[sflag:s13] =	ssyncadd.s32 $0xFFFFC000  }
0xc1: {  	_ =	swait.ge [sflag:s13], $0x4000  }
.Ltmp1:
0xc2: {  	[sflag:s13] =	ssyncset.done $0x0;
	(pc) =	sbr.rel @p0 .LBB2_1-.Ltmp1, $4  }
0xc3: {  	[sflag:s13] =	ssyncadd.s32 $0xFFFFC000  }
0xc4: {  	[hbm4b:s30+s3] =	stream.linear.scatter [tilespmem:s7], [sflag:$0x2], $0x10000, $0x38;
	[tilespmem:$0x10800] =	vst v63  }
0xc5: {  	_ =	swait.ge [sflag:s4], $0x10000  }
0xc6: {  	[sflag:s4] =	ssyncset.done $0x0  }
.LBB2_2:
0xc7: {  	[sflag:s4] =	ssyncadd.s32 $0xFFFF0000  }
0xc8: {  	_ =	sfence.sel $0x180000  }
0xc9: {  	[bflag:$0x0] =	sbarrier.arrive $0xFFFF  }
0xca: {  	_ =	strace $0x90000047  }
0xcb: {  	[bflag:$0x2] =	sbarrier.arrive $0xFFFF  }
0xcc: {  	p0 =	sne.s32 s0, $0x0;
	s0 =	rddreg [dreg:$0x2]  }
0xcd: {  	s0 =	sadd.s32 @!p0 $0x100000, s0  }
0xce: {  	[sflag:s0] =	ssyncadd.tile.s32 @!p0 $0x1;
	_ =	shalt  }
.Lfunc_end2:
_tile_overlayer_lowered:
.L_overlay_start_2:
0xcf: {  	(tag) =	ssettag $0x2  }
0xd0: {  	s0 =	rddreg [dreg:$0x0];
	s2 =	stileid.u32  }
0xd1: {  	s1 =	rddreg [dreg:$0x1];
	p0 =	sne.s32 s2, $0x0  }
0xd2: {  	s3 =	rddreg [dreg:$0x2];
	[bflag:$0x3] =	sbarrier.arrive $0xFFFF;
	s2 =	simm.s32 @!p0 $0x1C02  }
0xd3: {  	[timem:s3], [sflag:s2] =	dma.local @!p0 [hbm:s0], s1  }
0xd4: {  	s0 =	simm.s32 @!p0 $0x2  }
0xd5: {  	_ =	swait.ge @!p0 [sflag:s0], s1  }
0xd6: {  	s1 =	ssub.s32 @!p0 $0x0, s1;
	[sflag:s0] =	ssyncset.done @!p0 $0x0  }
0xd7: {  	[sflag:s0] =	ssyncadd.s32 @!p0 s1  }
0xd8: {  	[bflag:$0x3] =	sbarrier.arrive $0xFFFF  }
0xd9: {  	_ =	shalt  }

</sc_bundles>
